<compile_context>
chip_gen: v7x
topology: tpu7x:2x2x1
jax: 0.10.2.dev20260603
libtpu: 0.0.44.dev20260713+nightly
codegen_flags: <defaults>
</compile_context>

<pallas_src>
import functools

import jax
import jax.numpy as jnp
from jax import lax
from jax.experimental import pallas as pl
from jax.experimental.pallas import tpu as pltpu
from jax.experimental.pallas import tpu_sc as plsc

NUM_CORES = 2
NUM_SUBCORES = 16
NUM_WORKERS = NUM_CORES * NUM_SUBCORES
KBLK = 32
NBUF = 4
LA = 2
W = 2


def _sc_gather(ids, table):
    s, t = ids.shape
    vp, d = table.shape
    upw = s // NUM_WORKERS
    n_blocks = upw // KBLK
    n_bodies = upw // NBUF
    rows_per_tile = vp // NUM_SUBCORES
    t_lo = min(t, 128)
    t_hi = t - t_lo

    mesh = plsc.VectorSubcoreMesh(core_axis_name="c", subcore_axis_name="s")

    @functools.partial(
        pl.kernel,
        mesh=mesh,
        out_type=jax.ShapeDtypeStruct((s, t, d), jnp.float32),
        scratch_types=[
            pltpu.VMEM((2, KBLK, t), jnp.int32),
            pltpu.VMEM((NBUF, t, d), jnp.float32),
            pltpu.VMEM_SHARED((vp, d), jnp.float32),
        ]
        + [pltpu.SemaphoreType.DMA] * (2 * NBUF + 1),
    )
    def k(ids_hbm, table_hbm, out_hbm, idx_v, rows_v, table_sp, *sems):
        gsem = sems[:NBUF]
        osem = sems[NBUF:2 * NBUF]
        isem = sems[2 * NBUF]
        wid = lax.axis_index("s") * NUM_CORES + lax.axis_index("c")
        ubase = wid * upw

        sid = lax.axis_index("s")
        stage = rows_v.at[0, pl.ds(0, rows_per_tile)]
        pltpu.sync_copy(table_hbm.at[pl.ds(sid * rows_per_tile,
                                           rows_per_tile)], stage)
        pltpu.sync_copy(stage, table_sp.at[pl.ds(sid * rows_per_tile,
                                                 rows_per_tile)])
        plsc.subcore_barrier()

        def prefetch_idx(m):
            p = lax.rem(m, 2)
            pltpu.async_copy(ids_hbm.at[pl.ds(ubase + m * KBLK, KBLK)],
                             idx_v.at[p], isem)

        def wait_idx():
            pltpu.make_async_copy(ids_hbm.at[pl.ds(0, KBLK)], idx_v.at[0],
                                  isem).wait()

        def issue_gather(v, b):
            blk = lax.div(v, KBLK)
            p = lax.rem(blk, 2)
            r = lax.rem(v, KBLK)
            pltpu.async_copy(table_sp.at[idx_v.at[p, r, pl.ds(0, t_lo)]],
                             rows_v.at[b, pl.ds(0, t_lo)], gsem[b])
            if t_hi:
                pltpu.async_copy(
                    table_sp.at[idx_v.at[p, r, pl.ds(t_lo, t_hi)]],
                    rows_v.at[b, pl.ds(t_lo, t_hi)], gsem[b])

        def wait_gathers(b):
            pltpu.make_async_copy(table_sp.at[idx_v.at[0, 0]],
                                  rows_v.at[b], gsem[b]).wait()

        def wait_write(b):
            pltpu.make_async_copy(rows_v.at[b], out_hbm.at[0],
                                  osem[b]).wait()

        prefetch_idx(0)
        wait_idx()
        for b in range(LA):
            issue_gather(b, b)

        def body(bt, carry):
            nbpb = n_bodies // n_blocks
            @pl.when(jnp.logical_and(lax.rem(bt, nbpb) == nbpb - 2,
                                     bt != n_bodies - 2))
            def _():
                prefetch_idx(lax.div(NBUF * bt + 2 * NBUF, KBLK))

            @pl.when(jnp.logical_and(lax.rem(bt, nbpb) == nbpb - 1,
                                     bt != n_bodies - 1))
            def _():
                wait_idx()

            for kslot in range(NBUF):
                u = NBUF * bt + kslot
                bn = (kslot + LA) % NBUF
                wait_gathers(kslot)
                pltpu.async_copy(rows_v.at[kslot], out_hbm.at[ubase + u],
                                 osem[kslot])
                @pl.when(u >= W)
                def _():
                    wait_write(bn)

                @pl.when(u + LA < upw)
                def _():
                    issue_gather(u + LA, bn)

            return carry

        lax.fori_loop(0, n_bodies, body, 0)

        for v in range(upw - W, upw):
            wait_write(v % NBUF)

    return k(ids, table)


def kernel(tool_ids, tool_embed_weight):
    v, d = tool_embed_weight.shape
    align = 8 * NUM_SUBCORES
    vp = (v + align - 1) // align * align
    table_p = jnp.pad(tool_embed_weight, ((0, vp - v), (0, 0)))
    return _sc_gather(tool_ids.astype(jnp.int32), table_p)

# --- scband reference (transcript-rebuilt; emitter-appended) ---
"""Pipeline reference for scband-tool-embedding-34677565948766 (READ-ONLY COPY).

The authoritative reference and input builder live on the scoring server;
editing this copy changes nothing except your own understanding.
"""

import jax, jax.numpy as jnp
import numpy as np

D_MODEL = 128
MAX_TOOLS = 1000

def setup_inputs(seed: int = 0) -> dict:
    key = jax.random.key(seed)
    k1, k2 = jax.random.split(key)
    tool_ids = jax.random.randint(k1, (16384, 200), 0, MAX_TOOLS, dtype=jnp.int64 if jax.config.jax_enable_x64 else jnp.int32)
    tool_embed_weight = jax.random.normal(k2, (MAX_TOOLS, D_MODEL), dtype=jnp.float32)
    return {"tool_ids": tool_ids, "tool_embed_weight": tool_embed_weight}

def reference(tool_ids, tool_embed_weight):
    # Faithful translation of ToolEmbedding.forward with tool_ids provided:
    # return self.tool_embed(tool_ids)  -> gather rows from embedding table
    return jnp.take(tool_embed_weight, tool_ids, axis=0)

if __name__ == "__main__":
    import jax
    _d = setup_inputs()
    print(jax.jit(kernel)(*tuple(_d.values())))

</pallas_src>

<mosaic_0001>
#map = affine_map<(d0, d1) -> (0, 0)>
#map1 = affine_map<(d0, d1) -> (0, 0, 0)>
module attributes {stable_mosaic.version = 14 : i64} {
  func.func @k(%arg0: i32, %arg1: i32, %arg2: memref<16384x200xi32, #tpu.memory_space<hbm>>, %arg3: memref<1024x128xf32, #tpu.memory_space<hbm>>, %arg4: memref<16384x200x128xf32, #tpu.memory_space<hbm>>, %arg5: memref<2x32x200xi32, #tpu.memory_space<vmem>>, %arg6: memref<4x200x128xf32, #tpu.memory_space<vmem>>, %arg7: memref<1024x128xf32, #tpu.memory_space<vmem_shared>>, %arg8: memref<!tpu.dma_semaphore, #tpu.memory_space<semaphore_mem>>, %arg9: memref<!tpu.dma_semaphore, #tpu.memory_space<semaphore_mem>>, %arg10: memref<!tpu.dma_semaphore, #tpu.memory_space<semaphore_mem>>, %arg11: memref<!tpu.dma_semaphore, #tpu.memory_space<semaphore_mem>>, %arg12: memref<!tpu.dma_semaphore, #tpu.memory_space<semaphore_mem>>, %arg13: memref<!tpu.dma_semaphore, #tpu.memory_space<semaphore_mem>>, %arg14: memref<!tpu.dma_semaphore, #tpu.memory_space<semaphore_mem>>, %arg15: memref<!tpu.dma_semaphore, #tpu.memory_space<semaphore_mem>>, %arg16: memref<!tpu.dma_semaphore, #tpu.memory_space<semaphore_mem>>) attributes {dimension_semantics = [#tpu.dimension_semantics<core_parallel>, #tpu.dimension_semantics<subcore_parallel>], iteration_bounds = array<i64: 2, 16>, scalar_prefetch = 0 : i64, scratch_operands = 12 : i64, tpu.core_type = #tpu.core_type<sc_vector_subcore>, window_params = [{transform_indices = #map}, {transform_indices = #map}, {transform_indices = #map1}]} {
    %mul3A = arith.constant 2 : i32
    %mul3A_0 = arith.muli %arg1, %mul3A : i32
    %add3A = arith.addi %mul3A_0, %arg0 : i32
    %mul3A_1 = arith.constant 512 : i32
    %mul3A_2 = arith.muli %add3A, %mul3A_1 : i32
    %mul3A_3 = arith.constant 64 : i32
    %mul3A_4 = arith.muli %arg1, %mul3A_3 : i32
    %run_scoped3A = arith.constant 0 : i32
    "tpu.region"() ({
      %run_scoped3A_137 = tpu.sem_alloc : memref<!tpu.dma_semaphore, #tpu.memory_space<semaphore_mem>>
      %dma_start3A_138 = arith.constant 0 : i32
      %dma_start3A_139 = arith.constant 0 : i32
      %dma_start3A_140 = tpu.memref_slice %arg6[%run_scoped3A, %dma_start3A_138, %dma_start3A_139] : memref<4x200x128xf32, #tpu.memory_space<vmem>> -> memref<1x64x128xf32, #tpu.memory_space<vmem>>
      %dma_start3A_141 = tpu.memref_squeeze %dma_start3A_140 : memref<1x64x128xf32, #tpu.memory_space<vmem>> -> memref<64x128xf32, #tpu.memory_space<vmem>>
      %dma_start3A_142 = arith.constant 0 : i32
      %dma_start3A_143 = tpu.memref_slice %arg3[%mul3A_4, %dma_start3A_142] : memref<1024x128xf32, #tpu.memory_space<hbm>> -> memref<64x128xf32, #tpu.memory_space<hbm>>
      %dma_start3A_144 = arith.constant 0 : i32
      %dma_start3A_145 = arith.constant 0 : i32
      %dma_start3A_146 = tpu.memref_slice %arg6[%run_scoped3A, %dma_start3A_144, %dma_start3A_145] : memref<4x200x128xf32, #tpu.memory_space<vmem>> -> memref<1x64x128xf32, #tpu.memory_space<vmem>>
      %dma_start3A_147 = tpu.memref_squeeze %dma_start3A_146 : memref<1x64x128xf32, #tpu.memory_space<vmem>> -> memref<64x128xf32, #tpu.memory_space<vmem>>
      %dma_start3A_148 = arith.constant 0 : i32
      %dma_start3A_149 = tpu.memref_slice %arg3[%mul3A_4, %dma_start3A_148] : memref<1024x128xf32, #tpu.memory_space<hbm>> -> memref<64x128xf32, #tpu.memory_space<hbm>>
      tpu.enqueue_dma source(%dma_start3A_149 : memref<64x128xf32, #tpu.memory_space<hbm>>) target(%dma_start3A_147 : memref<64x128xf32, #tpu.memory_space<vmem>>) target_semaphore(%run_scoped3A_137 : memref<!tpu.dma_semaphore, #tpu.memory_space<semaphore_mem>>)
      %dma_wait3A_150 = arith.constant 0 : i32
      %dma_wait3A_151 = arith.constant 0 : i32
      %dma_wait3A_152 = tpu.memref_slice %arg6[%run_scoped3A, %dma_wait3A_150, %dma_wait3A_151] : memref<4x200x128xf32, #tpu.memory_space<vmem>> -> memref<1x64x128xf32, #tpu.memory_space<vmem>>
      %dma_wait3A_153 = tpu.memref_squeeze %dma_wait3A_152 : memref<1x64x128xf32, #tpu.memory_space<vmem>> -> memref<64x128xf32, #tpu.memory_space<vmem>>
      %dma_wait3A_154 = arith.constant 0 : i32
      %dma_wait3A_155 = tpu.memref_slice %arg3[%mul3A_4, %dma_wait3A_154] : memref<1024x128xf32, #tpu.memory_space<hbm>> -> memref<64x128xf32, #tpu.memory_space<hbm>>
      %dma_wait3A_156 = arith.constant 0 : i32
      %dma_wait3A_157 = arith.constant 0 : i32
      %dma_wait3A_158 = tpu.memref_slice %arg6[%run_scoped3A, %dma_wait3A_156, %dma_wait3A_157] : memref<4x200x128xf32, #tpu.memory_space<vmem>> -> memref<1x64x128xf32, #tpu.memory_space<vmem>>
      %dma_wait3A_159 = tpu.memref_squeeze %dma_wait3A_158 : memref<1x64x128xf32, #tpu.memory_space<vmem>> -> memref<64x128xf32, #tpu.memory_space<vmem>>
      %dma_wait3A_160 = arith.constant 0 : i32
      %dma_wait3A_161 = tpu.memref_slice %arg3[%mul3A_4, %dma_wait3A_160] : memref<1024x128xf32, #tpu.memory_space<hbm>> -> memref<64x128xf32, #tpu.memory_space<hbm>>
      tpu.wait_dma2 semaphore(%run_scoped3A_137 : memref<!tpu.dma_semaphore, #tpu.memory_space<semaphore_mem>>) src(%dma_wait3A_161 : memref<64x128xf32, #tpu.memory_space<hbm>>) dst(%dma_wait3A_159 : memref<64x128xf32, #tpu.memory_space<vmem>>)
      tpu.yield
    }) : () -> ()
    %mul3A_5 = arith.constant 64 : i32
    %mul3A_6 = arith.muli %arg1, %mul3A_5 : i32
    %run_scoped3A_7 = arith.constant 0 : i32
    "tpu.region"() ({
      %run_scoped3A_137 = tpu.sem_alloc : memref<!tpu.dma_semaphore, #tpu.memory_space<semaphore_mem>>
      %dma_start3A_138 = arith.constant 0 : i32
      %dma_start3A_139 = arith.constant 0 : i32
      %dma_start3A_140 = tpu.memref_slice %arg6[%run_scoped3A_7, %dma_start3A_138, %dma_start3A_139] : memref<4x200x128xf32, #tpu.memory_space<vmem>> -> memref<1x64x128xf32, #tpu.memory_space<vmem>>
      %dma_start3A_141 = tpu.memref_squeeze %dma_start3A_140 : memref<1x64x128xf32, #tpu.memory_space<vmem>> -> memref<64x128xf32, #tpu.memory_space<vmem>>
      %dma_start3A_142 = arith.constant 0 : i32
      %dma_start3A_143 = tpu.memref_slice %arg7[%mul3A_6, %dma_start3A_142] : memref<1024x128xf32, #tpu.memory_space<vmem_shared>> -> memref<64x128xf32, #tpu.memory_space<vmem_shared>>
      %dma_start3A_144 = arith.constant 0 : i32
      %dma_start3A_145 = tpu.memref_slice %arg7[%mul3A_6, %dma_start3A_144] : memref<1024x128xf32, #tpu.memory_space<vmem_shared>> -> memref<64x128xf32, #tpu.memory_space<vmem_shared>>
      %dma_start3A_146 = arith.constant 0 : i32
      %dma_start3A_147 = arith.constant 0 : i32
      %dma_start3A_148 = tpu.memref_slice %arg6[%run_scoped3A_7, %dma_start3A_146, %dma_start3A_147] : memref<4x200x128xf32, #tpu.memory_space<vmem>> -> memref<1x64x128xf32, #tpu.memory_space<vmem>>
      %dma_start3A_149 = tpu.memref_squeeze %dma_start3A_148 : memref<1x64x128xf32, #tpu.memory_space<vmem>> -> memref<64x128xf32, #tpu.memory_space<vmem>>
      tpu.enqueue_dma source(%dma_start3A_149 : memref<64x128xf32, #tpu.memory_space<vmem>>) target(%dma_start3A_145 : memref<64x128xf32, #tpu.memory_space<vmem_shared>>) target_semaphore(%run_scoped3A_137 : memref<!tpu.dma_semaphore, #tpu.memory_space<semaphore_mem>>)
      %dma_wait3A_150 = arith.constant 0 : i32
      %dma_wait3A_151 = arith.constant 0 : i32
      %dma_wait3A_152 = tpu.memref_slice %arg6[%run_scoped3A_7, %dma_wait3A_150, %dma_wait3A_151] : memref<4x200x128xf32, #tpu.memory_space<vmem>> -> memref<1x64x128xf32, #tpu.memory_space<vmem>>
      %dma_wait3A_153 = tpu.memref_squeeze %dma_wait3A_152 : memref<1x64x128xf32, #tpu.memory_space<vmem>> -> memref<64x128xf32, #tpu.memory_space<vmem>>
      %dma_wait3A_154 = arith.constant 0 : i32
      %dma_wait3A_155 = tpu.memref_slice %arg7[%mul3A_6, %dma_wait3A_154] : memref<1024x128xf32, #tpu.memory_space<vmem_shared>> -> memref<64x128xf32, #tpu.memory_space<vmem_shared>>
      %dma_wait3A_156 = arith.constant 0 : i32
      %dma_wait3A_157 = tpu.memref_slice %arg7[%mul3A_6, %dma_wait3A_156] : memref<1024x128xf32, #tpu.memory_space<vmem_shared>> -> memref<64x128xf32, #tpu.memory_space<vmem_shared>>
      %dma_wait3A_158 = arith.constant 0 : i32
      %dma_wait3A_159 = arith.constant 0 : i32
      %dma_wait3A_160 = tpu.memref_slice %arg6[%run_scoped3A_7, %dma_wait3A_158, %dma_wait3A_159] : memref<4x200x128xf32, #tpu.memory_space<vmem>> -> memref<1x64x128xf32, #tpu.memory_space<vmem>>
      %dma_wait3A_161 = tpu.memref_squeeze %dma_wait3A_160 : memref<1x64x128xf32, #tpu.memory_space<vmem>> -> memref<64x128xf32, #tpu.memory_space<vmem>>
      tpu.wait_dma2 semaphore(%run_scoped3A_137 : memref<!tpu.dma_semaphore, #tpu.memory_space<semaphore_mem>>) src(%dma_wait3A_161 : memref<64x128xf32, #tpu.memory_space<vmem>>) dst(%dma_wait3A_157 : memref<64x128xf32, #tpu.memory_space<vmem_shared>>)
      tpu.yield
    }) : () -> ()
    %barrier3A = arith.constant 0 : index
    tpu.barrier barrier_id(%barrier3A)
    %rem3A = arith.constant 0 : i32
    %rem3A_8 = arith.constant 2 : i32
    %rem3A_9 = arith.remsi %rem3A, %rem3A_8 : i32
    %add3A_10 = arith.constant 0 : i32
    %add3A_11 = arith.addi %mul3A_2, %add3A_10 : i32
    %dma_start3A = arith.constant 0 : i32
    %dma_start3A_12 = arith.constant 0 : i32
    %dma_start3A_13 = tpu.memref_slice %arg5[%rem3A_9, %dma_start3A, %dma_start3A_12] : memref<2x32x200xi32, #tpu.memory_space<vmem>> -> memref<1x32x200xi32, #tpu.memory_space<vmem>>
    %dma_start3A_14 = tpu.memref_squeeze %dma_start3A_13 : memref<1x32x200xi32, #tpu.memory_space<vmem>> -> memref<32x200xi32, #tpu.memory_space<vmem>>
    %dma_start3A_15 = arith.constant 0 : i32
    %dma_start3A_16 = tpu.memref_slice %arg2[%add3A_11, %dma_start3A_15] : memref<16384x200xi32, #tpu.memory_space<hbm>> -> memref<32x200xi32, #tpu.memory_space<hbm>>
    %dma_start3A_17 = arith.constant 0 : i32
    %dma_start3A_18 = arith.constant 0 : i32
    %dma_start3A_19 = tpu.memref_slice %arg5[%rem3A_9, %dma_start3A_17, %dma_start3A_18] : memref<2x32x200xi32, #tpu.memory_space<vmem>> -> memref<1x32x200xi32, #tpu.memory_space<vmem>>
    %dma_start3A_20 = tpu.memref_squeeze %dma_start3A_19 : memref<1x32x200xi32, #tpu.memory_space<vmem>> -> memref<32x200xi32, #tpu.memory_space<vmem>>
    %dma_start3A_21 = arith.constant 0 : i32
    %dma_start3A_22 = tpu.memref_slice %arg2[%add3A_11, %dma_start3A_21] : memref<16384x200xi32, #tpu.memory_space<hbm>> -> memref<32x200xi32, #tpu.memory_space<hbm>>
    tpu.enqueue_dma source(%dma_start3A_22 : memref<32x200xi32, #tpu.memory_space<hbm>>) target(%dma_start3A_20 : memref<32x200xi32, #tpu.memory_space<vmem>>) target_semaphore(%arg16 : memref<!tpu.dma_semaphore, #tpu.memory_space<semaphore_mem>>)
    %dma_wait3A = arith.constant 0 : i32
    %dma_wait3A_23 = arith.constant 0 : i32
    %dma_wait3A_24 = arith.constant 0 : i32
    %dma_wait3A_25 = tpu.memref_slice %arg5[%dma_wait3A, %dma_wait3A_23, %dma_wait3A_24] : memref<2x32x200xi32, #tpu.memory_space<vmem>> -> memref<1x32x200xi32, #tpu.memory_space<vmem>>
    %dma_wait3A_26 = tpu.memref_squeeze %dma_wait3A_25 : memref<1x32x200xi32, #tpu.memory_space<vmem>> -> memref<32x200xi32, #tpu.memory_space<vmem>>
    %dma_wait3A_27 = arith.constant 0 : i32
    %dma_wait3A_28 = arith.constant 0 : i32
    %dma_wait3A_29 = tpu.memref_slice %arg2[%dma_wait3A_27, %dma_wait3A_28] : memref<16384x200xi32, #tpu.memory_space<hbm>> -> memref<32x200xi32, #tpu.memory_space<hbm>>
    %dma_wait3A_30 = arith.constant 0 : i32
    %dma_wait3A_31 = arith.constant 0 : i32
    %dma_wait3A_32 = tpu.memref_slice %arg5[%dma_wait3A, %dma_wait3A_30, %dma_wait3A_31] : memref<2x32x200xi32, #tpu.memory_space<vmem>> -> memref<1x32x200xi32, #tpu.memory_space<vmem>>
    %dma_wait3A_33 = tpu.memref_squeeze %dma_wait3A_32 : memref<1x32x200xi32, #tpu.memory_space<vmem>> -> memref<32x200xi32, #tpu.memory_space<vmem>>
    %dma_wait3A_34 = arith.constant 0 : i32
    %dma_wait3A_35 = arith.constant 0 : i32
    %dma_wait3A_36 = tpu.memref_slice %arg2[%dma_wait3A_34, %dma_wait3A_35] : memref<16384x200xi32, #tpu.memory_space<hbm>> -> memref<32x200xi32, #tpu.memory_space<hbm>>
    tpu.wait_dma2 semaphore(%arg16 : memref<!tpu.dma_semaphore, #tpu.memory_space<semaphore_mem>>) src(%dma_wait3A_36 : memref<32x200xi32, #tpu.memory_space<hbm>>) dst(%dma_wait3A_33 : memref<32x200xi32, #tpu.memory_space<vmem>>)
    %div3A = arith.constant 0 : i32
    %div3A_37 = arith.constant 32 : i32
    %div3A_38 = arith.divsi %div3A, %div3A_37 : i32
    %rem3A_39 = arith.constant 2 : i32
    %rem3A_40 = arith.remsi %div3A_38, %rem3A_39 : i32
    %rem3A_41 = arith.constant 0 : i32
    %rem3A_42 = arith.constant 32 : i32
    %rem3A_43 = arith.remsi %rem3A_41, %rem3A_42 : i32
    %dma_start3A_44 = arith.constant 0 : i32
    %dma_start3A_45 = arith.constant 0 : i32
    %dma_start3A_46 = arith.constant 0 : i32
    %dma_start3A_47 = tpu.memref_slice %arg6[%dma_start3A_44, %dma_start3A_45, %dma_start3A_46] : memref<4x200x128xf32, #tpu.memory_space<vmem>> -> memref<1x128x128xf32, #tpu.memory_space<vmem>>
    %dma_start3A_48 = tpu.memref_squeeze %dma_start3A_47 : memref<1x128x128xf32, #tpu.memory_space<vmem>> -> memref<128x128xf32, #tpu.memory_space<vmem>>
    %dma_start3A_49 = arith.constant 0 : i32
    %dma_start3A_50 = tpu.memref_slice %arg5[%rem3A_40, %rem3A_43, %dma_start3A_49] : memref<2x32x200xi32, #tpu.memory_space<vmem>> -> memref<1x1x128xi32, #tpu.memory_space<vmem>>
    %dma_start3A_51 = tpu.memref_squeeze %dma_start3A_50 : memref<1x1x128xi32, #tpu.memory_space<vmem>> -> memref<128xi32, #tpu.memory_space<vmem>>
    %dma_start3A_52 = arith.constant 0 : i32
    %dma_start3A_53 = arith.constant 0 : i32
    %dma_start3A_54 = tpu.memref_slice %arg7[%dma_start3A_52, %dma_start3A_53] : memref<1024x128xf32, #tpu.memory_space<vmem_shared>> -> memref<1024x128xf32, #tpu.memory_space<vmem_shared>>
    tpu.enqueue_indirect_dma source(%dma_start3A_54 : memref<1024x128xf32, #tpu.memory_space<vmem_shared>>) target(%dma_start3A_48 : memref<128x128xf32, #tpu.memory_space<vmem>>) offsets(%dma_start3A_51 : memref<128xi32, #tpu.memory_space<vmem>>) semaphore(%arg8 : memref<!tpu.dma_semaphore, #tpu.memory_space<semaphore_mem>>)
    %dma_start3A_55 = arith.constant 0 : i32
    %dma_start3A_56 = arith.constant 128 : i32
    %dma_start3A_57 = arith.constant 0 : i32
    %dma_start3A_58 = tpu.memref_slice %arg6[%dma_start3A_55, %dma_start3A_56, %dma_start3A_57] : memref<4x200x128xf32, #tpu.memory_space<vmem>> -> memref<1x72x128xf32, #tpu.memory_space<vmem>>
    %dma_start3A_59 = tpu.memref_squeeze %dma_start3A_58 : memref<1x72x128xf32, #tpu.memory_space<vmem>> -> memref<72x128xf32, #tpu.memory_space<vmem>>
    %dma_start3A_60 = arith.constant 128 : i32
    %dma_start3A_61 = tpu.memref_slice %arg5[%rem3A_40, %rem3A_43, %dma_start3A_60] : memref<2x32x200xi32, #tpu.memory_space<vmem>> -> memref<1x1x72xi32, #tpu.memory_space<vmem>>
    %dma_start3A_62 = tpu.memref_squeeze %dma_start3A_61 : memref<1x1x72xi32, #tpu.memory_space<vmem>> -> memref<72xi32, #tpu.memory_space<vmem>>
    %dma_start3A_63 = arith.constant 0 : i32
    %dma_start3A_64 = arith.constant 0 : i32
    %dma_start3A_65 = tpu.memref_slice %arg7[%dma_start3A_63, %dma_start3A_64] : memref<1024x128xf32, #tpu.memory_space<vmem_shared>> -> memref<1024x128xf32, #tpu.memory_space<vmem_shared>>
    tpu.enqueue_indirect_dma source(%dma_start3A_65 : memref<1024x128xf32, #tpu.memory_space<vmem_shared>>) target(%dma_start3A_59 : memref<72x128xf32, #tpu.memory_space<vmem>>) offsets(%dma_start3A_62 : memref<72xi32, #tpu.memory_space<vmem>>) semaphore(%arg8 : memref<!tpu.dma_semaphore, #tpu.memory_space<semaphore_mem>>)
    %div3A_66 = arith.constant 1 : i32
    %div3A_67 = arith.constant 32 : i32
    %div3A_68 = arith.divsi %div3A_66, %div3A_67 : i32
    %rem3A_69 = arith.constant 2 : i32
    %rem3A_70 = arith.remsi %div3A_68, %rem3A_69 : i32
    %rem3A_71 = arith.constant 1 : i32
    %rem3A_72 = arith.constant 32 : i32
    %rem3A_73 = arith.remsi %rem3A_71, %rem3A_72 : i32
    %dma_start3A_74 = arith.constant 1 : i32
    %dma_start3A_75 = arith.constant 0 : i32
    %dma_start3A_76 = arith.constant 0 : i32
    %dma_start3A_77 = tpu.memref_slice %arg6[%dma_start3A_74, %dma_start3A_75, %dma_start3A_76] : memref<4x200x128xf32, #tpu.memory_space<vmem>> -> memref<1x128x128xf32, #tpu.memory_space<vmem>>
    %dma_start3A_78 = tpu.memref_squeeze %dma_start3A_77 : memref<1x128x128xf32, #tpu.memory_space<vmem>> -> memref<128x128xf32, #tpu.memory_space<vmem>>
    %dma_start3A_79 = arith.constant 0 : i32
    %dma_start3A_80 = tpu.memref_slice %arg5[%rem3A_70, %rem3A_73, %dma_start3A_79] : memref<2x32x200xi32, #tpu.memory_space<vmem>> -> memref<1x1x128xi32, #tpu.memory_space<vmem>>
    %dma_start3A_81 = tpu.memref_squeeze %dma_start3A_80 : memref<1x1x128xi32, #tpu.memory_space<vmem>> -> memref<128xi32, #tpu.memory_space<vmem>>
    %dma_start3A_82 = arith.constant 0 : i32
    %dma_start3A_83 = arith.constant 0 : i32
    %dma_start3A_84 = tpu.memref_slice %arg7[%dma_start3A_82, %dma_start3A_83] : memref<1024x128xf32, #tpu.memory_space<vmem_shared>> -> memref<1024x128xf32, #tpu.memory_space<vmem_shared>>
    tpu.enqueue_indirect_dma source(%dma_start3A_84 : memref<1024x128xf32, #tpu.memory_space<vmem_shared>>) target(%dma_start3A_78 : memref<128x128xf32, #tpu.memory_space<vmem>>) offsets(%dma_start3A_81 : memref<128xi32, #tpu.memory_space<vmem>>) semaphore(%arg9 : memref<!tpu.dma_semaphore, #tpu.memory_space<semaphore_mem>>)
    %dma_start3A_85 = arith.constant 1 : i32
    %dma_start3A_86 = arith.constant 128 : i32
    %dma_start3A_87 = arith.constant 0 : i32
    %dma_start3A_88 = tpu.memref_slice %arg6[%dma_start3A_85, %dma_start3A_86, %dma_start3A_87] : memref<4x200x128xf32, #tpu.memory_space<vmem>> -> memref<1x72x128xf32, #tpu.memory_space<vmem>>
    %dma_start3A_89 = tpu.memref_squeeze %dma_start3A_88 : memref<1x72x128xf32, #tpu.memory_space<vmem>> -> memref<72x128xf32, #tpu.memory_space<vmem>>
    %dma_start3A_90 = arith.constant 128 : i32
    %dma_start3A_91 = tpu.memref_slice %arg5[%rem3A_70, %rem3A_73, %dma_start3A_90] : memref<2x32x200xi32, #tpu.memory_space<vmem>> -> memref<1x1x72xi32, #tpu.memory_space<vmem>>
    %dma_start3A_92 = tpu.memref_squeeze %dma_start3A_91 : memref<1x1x72xi32, #tpu.memory_space<vmem>> -> memref<72xi32, #tpu.memory_space<vmem>>
    %dma_start3A_93 = arith.constant 0 : i32
    %dma_start3A_94 = arith.constant 0 : i32
    %dma_start3A_95 = tpu.memref_slice %arg7[%dma_start3A_93, %dma_start3A_94] : memref<1024x128xf32, #tpu.memory_space<vmem_shared>> -> memref<1024x128xf32, #tpu.memory_space<vmem_shared>>
    tpu.enqueue_indirect_dma source(%dma_start3A_95 : memref<1024x128xf32, #tpu.memory_space<vmem_shared>>) target(%dma_start3A_89 : memref<72x128xf32, #tpu.memory_space<vmem>>) offsets(%dma_start3A_92 : memref<72xi32, #tpu.memory_space<vmem>>) semaphore(%arg9 : memref<!tpu.dma_semaphore, #tpu.memory_space<semaphore_mem>>)
    %scan3A = arith.constant 0 : i32
    %scan3A_96 = arith.constant 0 : i32
    %scan3A_97 = arith.constant 128 : i32
    %scan3A_98 = arith.addi %scan3A_96, %scan3A_97 : i32
    %scan3A_99 = arith.constant 1 : i32
    scf.for %scan3A_137 = %scan3A_96 to %scan3A_98 step %scan3A_99  : i32 {
      %rem3A_138 = arith.constant 8 : i32
      %rem3A_139 = arith.remsi %scan3A_137, %rem3A_138 : i32
      %eq3A = arith.constant 6 : i32
      %eq3A_140 = arith.cmpi eq, %rem3A_139, %eq3A : i32
      %ne3A = arith.constant 126 : i32
      %ne3A_141 = arith.cmpi ne, %scan3A_137, %ne3A : i32
      %and3A = arith.andi %eq3A_140, %ne3A_141 : i1
      %convert_element_type3A = arith.extui %and3A : i1 to i32
      %cond3A = arith.constant 0 : i32
      %cond3A_142 = arith.cmpi ne, %convert_element_type3A, %cond3A : i32
      scf.if %cond3A_142 {
        %mul3A_339 = arith.constant 4 : i32
        %mul3A_340 = arith.muli %mul3A_339, %scan3A_137 : i32
        %add3A_341 = arith.constant 8 : i32
        %add3A_342 = arith.addi %mul3A_340, %add3A_341 : i32
        %div3A_343 = arith.constant 32 : i32
        %div3A_344 = arith.divsi %add3A_342, %div3A_343 : i32
        %rem3A_345 = arith.constant 2 : i32
        %rem3A_346 = arith.remsi %div3A_344, %rem3A_345 : i32
        %mul3A_347 = arith.constant 32 : i32
        %mul3A_348 = arith.muli %div3A_344, %mul3A_347 : i32
        %add3A_349 = arith.addi %mul3A_2, %mul3A_348 : i32
        %dma_start3A_350 = arith.constant 0 : i32
        %dma_start3A_351 = arith.constant 0 : i32
        %dma_start3A_352 = tpu.memref_slice %arg5[%rem3A_346, %dma_start3A_350, %dma_start3A_351] : memref<2x32x200xi32, #tpu.memory_space<vmem>> -> memref<1x32x200xi32, #tpu.memory_space<vmem>>
        %dma_start3A_353 = tpu.memref_squeeze %dma_start3A_352 : memref<1x32x200xi32, #tpu.memory_space<vmem>> -> memref<32x200xi32, #tpu.memory_space<vmem>>
        %dma_start3A_354 = arith.constant 0 : i32
        %dma_start3A_355 = tpu.memref_slice %arg2[%add3A_349, %dma_start3A_354] : memref<16384x200xi32, #tpu.memory_space<hbm>> -> memref<32x200xi32, #tpu.memory_space<hbm>>
        %dma_start3A_356 = arith.constant 0 : i32
        %dma_start3A_357 = arith.constant 0 : i32
        %dma_start3A_358 = tpu.memref_slice %arg5[%rem3A_346, %dma_start3A_356, %dma_start3A_357] : memref<2x32x200xi32, #tpu.memory_space<vmem>> -> memref<1x32x200xi32, #tpu.memory_space<vmem>>
        %dma_start3A_359 = tpu.memref_squeeze %dma_start3A_358 : memref<1x32x200xi32, #tpu.memory_space<vmem>> -> memref<32x200xi32, #tpu.memory_space<vmem>>
        %dma_start3A_360 = arith.constant 0 : i32
        %dma_start3A_361 = tpu.memref_slice %arg2[%add3A_349, %dma_start3A_360] : memref<16384x200xi32, #tpu.memory_space<hbm>> -> memref<32x200xi32, #tpu.memory_space<hbm>>
        tpu.enqueue_dma source(%dma_start3A_361 : memref<32x200xi32, #tpu.memory_space<hbm>>) target(%dma_start3A_359 : memref<32x200xi32, #tpu.memory_space<vmem>>) target_semaphore(%arg16 : memref<!tpu.dma_semaphore, #tpu.memory_space<semaphore_mem>>)
      } else {
      }
      %rem3A_143 = arith.constant 8 : i32
      %rem3A_144 = arith.remsi %scan3A_137, %rem3A_143 : i32
      %eq3A_145 = arith.constant 7 : i32
      %eq3A_146 = arith.cmpi eq, %rem3A_144, %eq3A_145 : i32
      %ne3A_147 = arith.constant 127 : i32
      %ne3A_148 = arith.cmpi ne, %scan3A_137, %ne3A_147 : i32
      %and3A_149 = arith.andi %eq3A_146, %ne3A_148 : i1
      %convert_element_type3A_150 = arith.extui %and3A_149 : i1 to i32
      %cond3A_151 = arith.constant 0 : i32
      %cond3A_152 = arith.cmpi ne, %convert_element_type3A_150, %cond3A_151 : i32
      scf.if %cond3A_152 {
        %dma_wait3A_339 = arith.constant 0 : i32
        %dma_wait3A_340 = arith.constant 0 : i32
        %dma_wait3A_341 = arith.constant 0 : i32
        %dma_wait3A_342 = tpu.memref_slice %arg5[%dma_wait3A_339, %dma_wait3A_340, %dma_wait3A_341] : memref<2x32x200xi32, #tpu.memory_space<vmem>> -> memref<1x32x200xi32, #tpu.memory_space<vmem>>
        %dma_wait3A_343 = tpu.memref_squeeze %dma_wait3A_342 : memref<1x32x200xi32, #tpu.memory_space<vmem>> -> memref<32x200xi32, #tpu.memory_space<vmem>>
        %dma_wait3A_344 = arith.constant 0 : i32
        %dma_wait3A_345 = arith.constant 0 : i32
        %dma_wait3A_346 = tpu.memref_slice %arg2[%dma_wait3A_344, %dma_wait3A_345] : memref<16384x200xi32, #tpu.memory_space<hbm>> -> memref<32x200xi32, #tpu.memory_space<hbm>>
        %dma_wait3A_347 = arith.constant 0 : i32
        %dma_wait3A_348 = arith.constant 0 : i32
        %dma_wait3A_349 = tpu.memref_slice %arg5[%dma_wait3A_339, %dma_wait3A_347, %dma_wait3A_348] : memref<2x32x200xi32, #tpu.memory_space<vmem>> -> memref<1x32x200xi32, #tpu.memory_space<vmem>>
        %dma_wait3A_350 = tpu.memref_squeeze %dma_wait3A_349 : memref<1x32x200xi32, #tpu.memory_space<vmem>> -> memref<32x200xi32, #tpu.memory_space<vmem>>
        %dma_wait3A_351 = arith.constant 0 : i32
        %dma_wait3A_352 = arith.constant 0 : i32
        %dma_wait3A_353 = tpu.memref_slice %arg2[%dma_wait3A_351, %dma_wait3A_352] : memref<16384x200xi32, #tpu.memory_space<hbm>> -> memref<32x200xi32, #tpu.memory_space<hbm>>
        tpu.wait_dma2 semaphore(%arg16 : memref<!tpu.dma_semaphore, #tpu.memory_space<semaphore_mem>>) src(%dma_wait3A_353 : memref<32x200xi32, #tpu.memory_space<hbm>>) dst(%dma_wait3A_350 : memref<32x200xi32, #tpu.memory_space<vmem>>)
      } else {
      }
      %mul3A_153 = arith.constant 4 : i32
      %mul3A_154 = arith.muli %mul3A_153, %scan3A_137 : i32
      %add3A_155 = arith.constant 0 : i32
      %add3A_156 = arith.addi %mul3A_154, %add3A_155 : i32
      %dma_wait3A_157 = arith.constant 0 : i32
      %dma_wait3A_158 = arith.constant 0 : i32
      %dma_wait3A_159 = arith.constant 0 : i32
      %dma_wait3A_160 = arith.constant 0 : i32
      %dma_wait3A_161 = arith.constant 0 : i32
      %dma_wait3A_162 = tpu.memref_slice %arg6[%dma_wait3A_159, %dma_wait3A_160, %dma_wait3A_161] : memref<4x200x128xf32, #tpu.memory_space<vmem>> -> memref<1x200x128xf32, #tpu.memory_space<vmem>>
      %dma_wait3A_163 = tpu.memref_squeeze %dma_wait3A_162 : memref<1x200x128xf32, #tpu.memory_space<vmem>> -> memref<200x128xf32, #tpu.memory_space<vmem>>
      %dma_wait3A_164 = arith.constant 0 : i32
      %dma_wait3A_165 = tpu.memref_slice %arg5[%dma_wait3A_157, %dma_wait3A_158, %dma_wait3A_164] : memref<2x32x200xi32, #tpu.memory_space<vmem>> -> memref<1x1x200xi32, #tpu.memory_space<vmem>>
      %dma_wait3A_166 = tpu.memref_squeeze %dma_wait3A_165 : memref<1x1x200xi32, #tpu.memory_space<vmem>> -> memref<200xi32, #tpu.memory_space<vmem>>
      %dma_wait3A_167 = arith.constant 0 : i32
      %dma_wait3A_168 = arith.constant 0 : i32
      %dma_wait3A_169 = tpu.memref_slice %arg7[%dma_wait3A_167, %dma_wait3A_168] : memref<1024x128xf32, #tpu.memory_space<vmem_shared>> -> memref<1024x128xf32, #tpu.memory_space<vmem_shared>>
      tpu.wait_indirect_dma semaphore(%arg8 : memref<!tpu.dma_semaphore, #tpu.memory_space<semaphore_mem>>) src(%dma_wait3A_169 : memref<1024x128xf32, #tpu.memory_space<vmem_shared>>) dst(%dma_wait3A_163 : memref<200x128xf32, #tpu.memory_space<vmem>>)
      %add3A_170 = arith.addi %mul3A_2, %add3A_156 : i32
      %dma_start3A_171 = arith.constant 0 : i32
      %dma_start3A_172 = arith.constant 0 : i32
      %dma_start3A_173 = arith.constant 0 : i32
      %dma_start3A_174 = tpu.memref_slice %arg6[%dma_start3A_171, %dma_start3A_172, %dma_start3A_173] : memref<4x200x128xf32, #tpu.memory_space<vmem>> -> memref<1x200x128xf32, #tpu.memory_space<vmem>>
      %dma_start3A_175 = tpu.memref_squeeze %dma_start3A_174 : memref<1x200x128xf32, #tpu.memory_space<vmem>> -> memref<200x128xf32, #tpu.memory_space<vmem>>
      %dma_start3A_176 = arith.constant 0 : i32
      %dma_start3A_177 = arith.constant 0 : i32
      %dma_start3A_178 = tpu.memref_slice %arg4[%add3A_170, %dma_start3A_176, %dma_start3A_177] : memref<16384x200x128xf32, #tpu.memory_space<hbm>> -> memref<1x200x128xf32, #tpu.memory_space<hbm>>
      %dma_start3A_179 = tpu.memref_squeeze %dma_start3A_178 : memref<1x200x128xf32, #tpu.memory_space<hbm>> -> memref<200x128xf32, #tpu.memory_space<hbm>>
      %dma_start3A_180 = arith.constant 0 : i32
      %dma_start3A_181 = arith.constant 0 : i32
      %dma_start3A_182 = tpu.memref_slice %arg4[%add3A_170, %dma_start3A_180, %dma_start3A_181] : memref<16384x200x128xf32, #tpu.memory_space<hbm>> -> memref<1x200x128xf32, #tpu.memory_space<hbm>>
      %dma_start3A_183 = tpu.memref_squeeze %dma_start3A_182 : memref<1x200x128xf32, #tpu.memory_space<hbm>> -> memref<200x128xf32, #tpu.memory_space<hbm>>
      %dma_start3A_184 = arith.constant 0 : i32
      %dma_start3A_185 = arith.constant 0 : i32
      %dma_start3A_186 = tpu.memref_slice %arg6[%dma_start3A_171, %dma_start3A_184, %dma_start3A_185] : memref<4x200x128xf32, #tpu.memory_space<vmem>> -> memref<1x200x128xf32, #tpu.memory_space<vmem>>
      %dma_start3A_187 = tpu.memref_squeeze %dma_start3A_186 : memref<1x200x128xf32, #tpu.memory_space<vmem>> -> memref<200x128xf32, #tpu.memory_space<vmem>>
      tpu.enqueue_dma source(%dma_start3A_187 : memref<200x128xf32, #tpu.memory_space<vmem>>) target(%dma_start3A_183 : memref<200x128xf32, #tpu.memory_space<hbm>>) target_semaphore(%arg12 : memref<!tpu.dma_semaphore, #tpu.memory_space<semaphore_mem>>)
      %ge3A = arith.constant 2 : i32
      %ge3A_188 = arith.cmpi sge, %add3A_156, %ge3A : i32
      %convert_element_type3A_189 = arith.extui %ge3A_188 : i1 to i32
      %cond3A_190 = arith.constant 0 : i32
      %cond3A_191 = arith.cmpi ne, %convert_element_type3A_189, %cond3A_190 : i32
      scf.if %cond3A_191 {
        %dma_wait3A_339 = arith.constant 2 : i32
        %dma_wait3A_340 = arith.constant 0 : i32
        %dma_wait3A_341 = arith.constant 0 : i32
        %dma_wait3A_342 = arith.constant 0 : i32
        %dma_wait3A_343 = tpu.memref_slice %arg6[%dma_wait3A_339, %dma_wait3A_341, %dma_wait3A_342] : memref<4x200x128xf32, #tpu.memory_space<vmem>> -> memref<1x200x128xf32, #tpu.memory_space<vmem>>
        %dma_wait3A_344 = tpu.memref_squeeze %dma_wait3A_343 : memref<1x200x128xf32, #tpu.memory_space<vmem>> -> memref<200x128xf32, #tpu.memory_space<vmem>>
        %dma_wait3A_345 = arith.constant 0 : i32
        %dma_wait3A_346 = arith.constant 0 : i32
        %dma_wait3A_347 = tpu.memref_slice %arg4[%dma_wait3A_340, %dma_wait3A_345, %dma_wait3A_346] : memref<16384x200x128xf32, #tpu.memory_space<hbm>> -> memref<1x200x128xf32, #tpu.memory_space<hbm>>
        %dma_wait3A_348 = tpu.memref_squeeze %dma_wait3A_347 : memref<1x200x128xf32, #tpu.memory_space<hbm>> -> memref<200x128xf32, #tpu.memory_space<hbm>>
        %dma_wait3A_349 = arith.constant 0 : i32
        %dma_wait3A_350 = arith.constant 0 : i32
        %dma_wait3A_351 = tpu.memref_slice %arg4[%dma_wait3A_340, %dma_wait3A_349, %dma_wait3A_350] : memref<16384x200x128xf32, #tpu.memory_space<hbm>> -> memref<1x200x128xf32, #tpu.memory_space<hbm>>
        %dma_wait3A_352 = tpu.memref_squeeze %dma_wait3A_351 : memref<1x200x128xf32, #tpu.memory_space<hbm>> -> memref<200x128xf32, #tpu.memory_space<hbm>>
        %dma_wait3A_353 = arith.constant 0 : i32
        %dma_wait3A_354 = arith.constant 0 : i32
        %dma_wait3A_355 = tpu.memref_slice %arg6[%dma_wait3A_339, %dma_wait3A_353, %dma_wait3A_354] : memref<4x200x128xf32, #tpu.memory_space<vmem>> -> memref<1x200x128xf32, #tpu.memory_space<vmem>>
        %dma_wait3A_356 = tpu.memref_squeeze %dma_wait3A_355 : memref<1x200x128xf32, #tpu.memory_space<vmem>> -> memref<200x128xf32, #tpu.memory_space<vmem>>
        tpu.wait_dma2 semaphore(%arg14 : memref<!tpu.dma_semaphore, #tpu.memory_space<semaphore_mem>>) src(%dma_wait3A_356 : memref<200x128xf32, #tpu.memory_space<vmem>>) dst(%dma_wait3A_352 : memref<200x128xf32, #tpu.memory_space<hbm>>)
      } else {
      }
      %add3A_192 = arith.constant 2 : i32
      %add3A_193 = arith.addi %add3A_156, %add3A_192 : i32
      %lt3A = arith.constant 512 : i32
      %lt3A_194 = arith.cmpi slt, %add3A_193, %lt3A : i32
      %convert_element_type3A_195 = arith.extui %lt3A_194 : i1 to i32
      %cond3A_196 = arith.constant 0 : i32
      %cond3A_197 = arith.cmpi ne, %convert_element_type3A_195, %cond3A_196 : i32
      scf.if %cond3A_197 {
        %add3A_339 = arith.constant 2 : i32
        %add3A_340 = arith.addi %add3A_156, %add3A_339 : i32
        %div3A_341 = arith.constant 32 : i32
        %div3A_342 = arith.divsi %add3A_340, %div3A_341 : i32
        %rem3A_343 = arith.constant 2 : i32
        %rem3A_344 = arith.remsi %div3A_342, %rem3A_343 : i32
        %rem3A_345 = arith.constant 32 : i32
        %rem3A_346 = arith.remsi %add3A_340, %rem3A_345 : i32
        %dma_start3A_347 = arith.constant 2 : i32
        %dma_start3A_348 = arith.constant 0 : i32
        %dma_start3A_349 = arith.constant 0 : i32
        %dma_start3A_350 = tpu.memref_slice %arg6[%dma_start3A_347, %dma_start3A_348, %dma_start3A_349] : memref<4x200x128xf32, #tpu.memory_space<vmem>> -> memref<1x128x128xf32, #tpu.memory_space<vmem>>
        %dma_start3A_351 = tpu.memref_squeeze %dma_start3A_350 : memref<1x128x128xf32, #tpu.memory_space<vmem>> -> memref<128x128xf32, #tpu.memory_space<vmem>>
        %dma_start3A_352 = arith.constant 0 : i32
        %dma_start3A_353 = tpu.memref_slice %arg5[%rem3A_344, %rem3A_346, %dma_start3A_352] : memref<2x32x200xi32, #tpu.memory_space<vmem>> -> memref<1x1x128xi32, #tpu.memory_space<vmem>>
        %dma_start3A_354 = tpu.memref_squeeze %dma_start3A_353 : memref<1x1x128xi32, #tpu.memory_space<vmem>> -> memref<128xi32, #tpu.memory_space<vmem>>
        %dma_start3A_355 = arith.constant 0 : i32
        %dma_start3A_356 = arith.constant 0 : i32
        %dma_start3A_357 = tpu.memref_slice %arg7[%dma_start3A_355, %dma_start3A_356] : memref<1024x128xf32, #tpu.memory_space<vmem_shared>> -> memref<1024x128xf32, #tpu.memory_space<vmem_shared>>
        tpu.enqueue_indirect_dma source(%dma_start3A_357 : memref<1024x128xf32, #tpu.memory_space<vmem_shared>>) target(%dma_start3A_351 : memref<128x128xf32, #tpu.memory_space<vmem>>) offsets(%dma_start3A_354 : memref<128xi32, #tpu.memory_space<vmem>>) semaphore(%arg10 : memref<!tpu.dma_semaphore, #tpu.memory_space<semaphore_mem>>)
        %dma_start3A_358 = arith.constant 2 : i32
        %dma_start3A_359 = arith.constant 128 : i32
        %dma_start3A_360 = arith.constant 0 : i32
        %dma_start3A_361 = tpu.memref_slice %arg6[%dma_start3A_358, %dma_start3A_359, %dma_start3A_360] : memref<4x200x128xf32, #tpu.memory_space<vmem>> -> memref<1x72x128xf32, #tpu.memory_space<vmem>>
        %dma_start3A_362 = tpu.memref_squeeze %dma_start3A_361 : memref<1x72x128xf32, #tpu.memory_space<vmem>> -> memref<72x128xf32, #tpu.memory_space<vmem>>
        %dma_start3A_363 = arith.constant 128 : i32
        %dma_start3A_364 = tpu.memref_slice %arg5[%rem3A_344, %rem3A_346, %dma_start3A_363] : memref<2x32x200xi32, #tpu.memory_space<vmem>> -> memref<1x1x72xi32, #tpu.memory_space<vmem>>
        %dma_start3A_365 = tpu.memref_squeeze %dma_start3A_364 : memref<1x1x72xi32, #tpu.memory_space<vmem>> -> memref<72xi32, #tpu.memory_space<vmem>>
        %dma_start3A_366 = arith.constant 0 : i32
        %dma_start3A_367 = arith.constant 0 : i32
        %dma_start3A_368 = tpu.memref_slice %arg7[%dma_start3A_366, %dma_start3A_367] : memref<1024x128xf32, #tpu.memory_space<vmem_shared>> -> memref<1024x128xf32, #tpu.memory_space<vmem_shared>>
        tpu.enqueue_indirect_dma source(%dma_start3A_368 : memref<1024x128xf32, #tpu.memory_space<vmem_shared>>) target(%dma_start3A_362 : memref<72x128xf32, #tpu.memory_space<vmem>>) offsets(%dma_start3A_365 : memref<72xi32, #tpu.memory_space<vmem>>) semaphore(%arg10 : memref<!tpu.dma_semaphore, #tpu.memory_space<semaphore_mem>>)
      } else {
      }
      %mul3A_198 = arith.constant 4 : i32
      %mul3A_199 = arith.muli %mul3A_198, %scan3A_137 : i32
      %add3A_200 = arith.constant 1 : i32
      %add3A_201 = arith.addi %mul3A_199, %add3A_200 : i32
      %dma_wait3A_202 = arith.constant 0 : i32
      %dma_wait3A_203 = arith.constant 0 : i32
      %dma_wait3A_204 = arith.constant 1 : i32
      %dma_wait3A_205 = arith.constant 0 : i32
      %dma_wait3A_206 = arith.constant 0 : i32
      %dma_wait3A_207 = tpu.memref_slice %arg6[%dma_wait3A_204, %dma_wait3A_205, %dma_wait3A_206] : memref<4x200x128xf32, #tpu.memory_space<vmem>> -> memref<1x200x128xf32, #tpu.memory_space<vmem>>
      %dma_wait3A_208 = tpu.memref_squeeze %dma_wait3A_207 : memref<1x200x128xf32, #tpu.memory_space<vmem>> -> memref<200x128xf32, #tpu.memory_space<vmem>>
      %dma_wait3A_209 = arith.constant 0 : i32
      %dma_wait3A_210 = tpu.memref_slice %arg5[%dma_wait3A_202, %dma_wait3A_203, %dma_wait3A_209] : memref<2x32x200xi32, #tpu.memory_space<vmem>> -> memref<1x1x200xi32, #tpu.memory_space<vmem>>
      %dma_wait3A_211 = tpu.memref_squeeze %dma_wait3A_210 : memref<1x1x200xi32, #tpu.memory_space<vmem>> -> memref<200xi32, #tpu.memory_space<vmem>>
      %dma_wait3A_212 = arith.constant 0 : i32
      %dma_wait3A_213 = arith.constant 0 : i32
      %dma_wait3A_214 = tpu.memref_slice %arg7[%dma_wait3A_212, %dma_wait3A_213] : memref<1024x128xf32, #tpu.memory_space<vmem_shared>> -> memref<1024x128xf32, #tpu.memory_space<vmem_shared>>
      tpu.wait_indirect_dma semaphore(%arg9 : memref<!tpu.dma_semaphore, #tpu.memory_space<semaphore_mem>>) src(%dma_wait3A_214 : memref<1024x128xf32, #tpu.memory_space<vmem_shared>>) dst(%dma_wait3A_208 : memref<200x128xf32, #tpu.memory_space<vmem>>)
      %add3A_215 = arith.addi %mul3A_2, %add3A_201 : i32
      %dma_start3A_216 = arith.constant 1 : i32
      %dma_start3A_217 = arith.constant 0 : i32
      %dma_start3A_218 = arith.constant 0 : i32
      %dma_start3A_219 = tpu.memref_slice %arg6[%dma_start3A_216, %dma_start3A_217, %dma_start3A_218] : memref<4x200x128xf32, #tpu.memory_space<vmem>> -> memref<1x200x128xf32, #tpu.memory_space<vmem>>
      %dma_start3A_220 = tpu.memref_squeeze %dma_start3A_219 : memref<1x200x128xf32, #tpu.memory_space<vmem>> -> memref<200x128xf32, #tpu.memory_space<vmem>>
      %dma_start3A_221 = arith.constant 0 : i32
      %dma_start3A_222 = arith.constant 0 : i32
      %dma_start3A_223 = tpu.memref_slice %arg4[%add3A_215, %dma_start3A_221, %dma_start3A_222] : memref<16384x200x128xf32, #tpu.memory_space<hbm>> -> memref<1x200x128xf32, #tpu.memory_space<hbm>>
      %dma_start3A_224 = tpu.memref_squeeze %dma_start3A_223 : memref<1x200x128xf32, #tpu.memory_space<hbm>> -> memref<200x128xf32, #tpu.memory_space<hbm>>
      %dma_start3A_225 = arith.constant 0 : i32
      %dma_start3A_226 = arith.constant 0 : i32
      %dma_start3A_227 = tpu.memref_slice %arg4[%add3A_215, %dma_start3A_225, %dma_start3A_226] : memref<16384x200x128xf32, #tpu.memory_space<hbm>> -> memref<1x200x128xf32, #tpu.memory_space<hbm>>
      %dma_start3A_228 = tpu.memref_squeeze %dma_start3A_227 : memref<1x200x128xf32, #tpu.memory_space<hbm>> -> memref<200x128xf32, #tpu.memory_space<hbm>>
      %dma_start3A_229 = arith.constant 0 : i32
      %dma_start3A_230 = arith.constant 0 : i32
      %dma_start3A_231 = tpu.memref_slice %arg6[%dma_start3A_216, %dma_start3A_229, %dma_start3A_230] : memref<4x200x128xf32, #tpu.memory_space<vmem>> -> memref<1x200x128xf32, #tpu.memory_space<vmem>>
      %dma_start3A_232 = tpu.memref_squeeze %dma_start3A_231 : memref<1x200x128xf32, #tpu.memory_space<vmem>> -> memref<200x128xf32, #tpu.memory_space<vmem>>
      tpu.enqueue_dma source(%dma_start3A_232 : memref<200x128xf32, #tpu.memory_space<vmem>>) target(%dma_start3A_228 : memref<200x128xf32, #tpu.memory_space<hbm>>) target_semaphore(%arg13 : memref<!tpu.dma_semaphore, #tpu.memory_space<semaphore_mem>>)
      %ge3A_233 = arith.constant 2 : i32
      %ge3A_234 = arith.cmpi sge, %add3A_201, %ge3A_233 : i32
      %convert_element_type3A_235 = arith.extui %ge3A_234 : i1 to i32
      %cond3A_236 = arith.constant 0 : i32
      %cond3A_237 = arith.cmpi ne, %convert_element_type3A_235, %cond3A_236 : i32
      scf.if %cond3A_237 {
        %dma_wait3A_339 = arith.constant 3 : i32
        %dma_wait3A_340 = arith.constant 0 : i32
        %dma_wait3A_341 = arith.constant 0 : i32
        %dma_wait3A_342 = arith.constant 0 : i32
        %dma_wait3A_343 = tpu.memref_slice %arg6[%dma_wait3A_339, %dma_wait3A_341, %dma_wait3A_342] : memref<4x200x128xf32, #tpu.memory_space<vmem>> -> memref<1x200x128xf32, #tpu.memory_space<vmem>>
        %dma_wait3A_344 = tpu.memref_squeeze %dma_wait3A_343 : memref<1x200x128xf32, #tpu.memory_space<vmem>> -> memref<200x128xf32, #tpu.memory_space<vmem>>
        %dma_wait3A_345 = arith.constant 0 : i32
        %dma_wait3A_346 = arith.constant 0 : i32
        %dma_wait3A_347 = tpu.memref_slice %arg4[%dma_wait3A_340, %dma_wait3A_345, %dma_wait3A_346] : memref<16384x200x128xf32, #tpu.memory_space<hbm>> -> memref<1x200x128xf32, #tpu.memory_space<hbm>>
        %dma_wait3A_348 = tpu.memref_squeeze %dma_wait3A_347 : memref<1x200x128xf32, #tpu.memory_space<hbm>> -> memref<200x128xf32, #tpu.memory_space<hbm>>
        %dma_wait3A_349 = arith.constant 0 : i32
        %dma_wait3A_350 = arith.constant 0 : i32
        %dma_wait3A_351 = tpu.memref_slice %arg4[%dma_wait3A_340, %dma_wait3A_349, %dma_wait3A_350] : memref<16384x200x128xf32, #tpu.memory_space<hbm>> -> memref<1x200x128xf32, #tpu.memory_space<hbm>>
        %dma_wait3A_352 = tpu.memref_squeeze %dma_wait3A_351 : memref<1x200x128xf32, #tpu.memory_space<hbm>> -> memref<200x128xf32, #tpu.memory_space<hbm>>
        %dma_wait3A_353 = arith.constant 0 : i32
        %dma_wait3A_354 = arith.constant 0 : i32
        %dma_wait3A_355 = tpu.memref_slice %arg6[%dma_wait3A_339, %dma_wait3A_353, %dma_wait3A_354] : memref<4x200x128xf32, #tpu.memory_space<vmem>> -> memref<1x200x128xf32, #tpu.memory_space<vmem>>
        %dma_wait3A_356 = tpu.memref_squeeze %dma_wait3A_355 : memref<1x200x128xf32, #tpu.memory_space<vmem>> -> memref<200x128xf32, #tpu.memory_space<vmem>>
        tpu.wait_dma2 semaphore(%arg15 : memref<!tpu.dma_semaphore, #tpu.memory_space<semaphore_mem>>) src(%dma_wait3A_356 : memref<200x128xf32, #tpu.memory_space<vmem>>) dst(%dma_wait3A_352 : memref<200x128xf32, #tpu.memory_space<hbm>>)
      } else {
      }
      %add3A_238 = arith.constant 2 : i32
      %add3A_239 = arith.addi %add3A_201, %add3A_238 : i32
      %lt3A_240 = arith.constant 512 : i32
      %lt3A_241 = arith.cmpi slt, %add3A_239, %lt3A_240 : i32
      %convert_element_type3A_242 = arith.extui %lt3A_241 : i1 to i32
      %cond3A_243 = arith.constant 0 : i32
      %cond3A_244 = arith.cmpi ne, %convert_element_type3A_242, %cond3A_243 : i32
      scf.if %cond3A_244 {
        %add3A_339 = arith.constant 2 : i32
        %add3A_340 = arith.addi %add3A_201, %add3A_339 : i32
        %div3A_341 = arith.constant 32 : i32
        %div3A_342 = arith.divsi %add3A_340, %div3A_341 : i32
        %rem3A_343 = arith.constant 2 : i32
        %rem3A_344 = arith.remsi %div3A_342, %rem3A_343 : i32
        %rem3A_345 = arith.constant 32 : i32
        %rem3A_346 = arith.remsi %add3A_340, %rem3A_345 : i32
        %dma_start3A_347 = arith.constant 3 : i32
        %dma_start3A_348 = arith.constant 0 : i32
        %dma_start3A_349 = arith.constant 0 : i32
        %dma_start3A_350 = tpu.memref_slice %arg6[%dma_start3A_347, %dma_start3A_348, %dma_start3A_349] : memref<4x200x128xf32, #tpu.memory_space<vmem>> -> memref<1x128x128xf32, #tpu.memory_space<vmem>>
        %dma_start3A_351 = tpu.memref_squeeze %dma_start3A_350 : memref<1x128x128xf32, #tpu.memory_space<vmem>> -> memref<128x128xf32, #tpu.memory_space<vmem>>
        %dma_start3A_352 = arith.constant 0 : i32
        %dma_start3A_353 = tpu.memref_slice %arg5[%rem3A_344, %rem3A_346, %dma_start3A_352] : memref<2x32x200xi32, #tpu.memory_space<vmem>> -> memref<1x1x128xi32, #tpu.memory_space<vmem>>
        %dma_start3A_354 = tpu.memref_squeeze %dma_start3A_353 : memref<1x1x128xi32, #tpu.memory_space<vmem>> -> memref<128xi32, #tpu.memory_space<vmem>>
        %dma_start3A_355 = arith.constant 0 : i32
        %dma_start3A_356 = arith.constant 0 : i32
        %dma_start3A_357 = tpu.memref_slice %arg7[%dma_start3A_355, %dma_start3A_356] : memref<1024x128xf32, #tpu.memory_space<vmem_shared>> -> memref<1024x128xf32, #tpu.memory_space<vmem_shared>>
        tpu.enqueue_indirect_dma source(%dma_start3A_357 : memref<1024x128xf32, #tpu.memory_space<vmem_shared>>) target(%dma_start3A_351 : memref<128x128xf32, #tpu.memory_space<vmem>>) offsets(%dma_start3A_354 : memref<128xi32, #tpu.memory_space<vmem>>) semaphore(%arg11 : memref<!tpu.dma_semaphore, #tpu.memory_space<semaphore_mem>>)
        %dma_start3A_358 = arith.constant 3 : i32
        %dma_start3A_359 = arith.constant 128 : i32
        %dma_start3A_360 = arith.constant 0 : i32
        %dma_start3A_361 = tpu.memref_slice %arg6[%dma_start3A_358, %dma_start3A_359, %dma_start3A_360] : memref<4x200x128xf32, #tpu.memory_space<vmem>> -> memref<1x72x128xf32, #tpu.memory_space<vmem>>
        %dma_start3A_362 = tpu.memref_squeeze %dma_start3A_361 : memref<1x72x128xf32, #tpu.memory_space<vmem>> -> memref<72x128xf32, #tpu.memory_space<vmem>>
        %dma_start3A_363 = arith.constant 128 : i32
        %dma_start3A_364 = tpu.memref_slice %arg5[%rem3A_344, %rem3A_346, %dma_start3A_363] : memref<2x32x200xi32, #tpu.memory_space<vmem>> -> memref<1x1x72xi32, #tpu.memory_space<vmem>>
        %dma_start3A_365 = tpu.memref_squeeze %dma_start3A_364 : memref<1x1x72xi32, #tpu.memory_space<vmem>> -> memref<72xi32, #tpu.memory_space<vmem>>
        %dma_start3A_366 = arith.constant 0 : i32
        %dma_start3A_367 = arith.constant 0 : i32
        %dma_start3A_368 = tpu.memref_slice %arg7[%dma_start3A_366, %dma_start3A_367] : memref<1024x128xf32, #tpu.memory_space<vmem_shared>> -> memref<1024x128xf32, #tpu.memory_space<vmem_shared>>
        tpu.enqueue_indirect_dma source(%dma_start3A_368 : memref<1024x128xf32, #tpu.memory_space<vmem_shared>>) target(%dma_start3A_362 : memref<72x128xf32, #tpu.memory_space<vmem>>) offsets(%dma_start3A_365 : memref<72xi32, #tpu.memory_space<vmem>>) semaphore(%arg11 : memref<!tpu.dma_semaphore, #tpu.memory_space<semaphore_mem>>)
      } else {
      }
      %mul3A_245 = arith.constant 4 : i32
      %mul3A_246 = arith.muli %mul3A_245, %scan3A_137 : i32
      %add3A_247 = arith.constant 2 : i32
      %add3A_248 = arith.addi %mul3A_246, %add3A_247 : i32
      %dma_wait3A_249 = arith.constant 0 : i32
      %dma_wait3A_250 = arith.constant 0 : i32
      %dma_wait3A_251 = arith.constant 2 : i32
      %dma_wait3A_252 = arith.constant 0 : i32
      %dma_wait3A_253 = arith.constant 0 : i32
      %dma_wait3A_254 = tpu.memref_slice %arg6[%dma_wait3A_251, %dma_wait3A_252, %dma_wait3A_253] : memref<4x200x128xf32, #tpu.memory_space<vmem>> -> memref<1x200x128xf32, #tpu.memory_space<vmem>>
      %dma_wait3A_255 = tpu.memref_squeeze %dma_wait3A_254 : memref<1x200x128xf32, #tpu.memory_space<vmem>> -> memref<200x128xf32, #tpu.memory_space<vmem>>
      %dma_wait3A_256 = arith.constant 0 : i32
      %dma_wait3A_257 = tpu.memref_slice %arg5[%dma_wait3A_249, %dma_wait3A_250, %dma_wait3A_256] : memref<2x32x200xi32, #tpu.memory_space<vmem>> -> memref<1x1x200xi32, #tpu.memory_space<vmem>>
      %dma_wait3A_258 = tpu.memref_squeeze %dma_wait3A_257 : memref<1x1x200xi32, #tpu.memory_space<vmem>> -> memref<200xi32, #tpu.memory_space<vmem>>
      %dma_wait3A_259 = arith.constant 0 : i32
      %dma_wait3A_260 = arith.constant 0 : i32
      %dma_wait3A_261 = tpu.memref_slice %arg7[%dma_wait3A_259, %dma_wait3A_260] : memref<1024x128xf32, #tpu.memory_space<vmem_shared>> -> memref<1024x128xf32, #tpu.memory_space<vmem_shared>>
      tpu.wait_indirect_dma semaphore(%arg10 : memref<!tpu.dma_semaphore, #tpu.memory_space<semaphore_mem>>) src(%dma_wait3A_261 : memref<1024x128xf32, #tpu.memory_space<vmem_shared>>) dst(%dma_wait3A_255 : memref<200x128xf32, #tpu.memory_space<vmem>>)
      %add3A_262 = arith.addi %mul3A_2, %add3A_248 : i32
      %dma_start3A_263 = arith.constant 2 : i32
      %dma_start3A_264 = arith.constant 0 : i32
      %dma_start3A_265 = arith.constant 0 : i32
      %dma_start3A_266 = tpu.memref_slice %arg6[%dma_start3A_263, %dma_start3A_264, %dma_start3A_265] : memref<4x200x128xf32, #tpu.memory_space<vmem>> -> memref<1x200x128xf32, #tpu.memory_space<vmem>>
      %dma_start3A_267 = tpu.memref_squeeze %dma_start3A_266 : memref<1x200x128xf32, #tpu.memory_space<vmem>> -> memref<200x128xf32, #tpu.memory_space<vmem>>
      %dma_start3A_268 = arith.constant 0 : i32
      %dma_start3A_269 = arith.constant 0 : i32
      %dma_start3A_270 = tpu.memref_slice %arg4[%add3A_262, %dma_start3A_268, %dma_start3A_269] : memref<16384x200x128xf32, #tpu.memory_space<hbm>> -> memref<1x200x128xf32, #tpu.memory_space<hbm>>
      %dma_start3A_271 = tpu.memref_squeeze %dma_start3A_270 : memref<1x200x128xf32, #tpu.memory_space<hbm>> -> memref<200x128xf32, #tpu.memory_space<hbm>>
      %dma_start3A_272 = arith.constant 0 : i32
      %dma_start3A_273 = arith.constant 0 : i32
      %dma_start3A_274 = tpu.memref_slice %arg4[%add3A_262, %dma_start3A_272, %dma_start3A_273] : memref<16384x200x128xf32, #tpu.memory_space<hbm>> -> memref<1x200x128xf32, #tpu.memory_space<hbm>>
      %dma_start3A_275 = tpu.memref_squeeze %dma_start3A_274 : memref<1x200x128xf32, #tpu.memory_space<hbm>> -> memref<200x128xf32, #tpu.memory_space<hbm>>
      %dma_start3A_276 = arith.constant 0 : i32
      %dma_start3A_277 = arith.constant 0 : i32
      %dma_start3A_278 = tpu.memref_slice %arg6[%dma_start3A_263, %dma_start3A_276, %dma_start3A_277] : memref<4x200x128xf32, #tpu.memory_space<vmem>> -> memref<1x200x128xf32, #tpu.memory_space<vmem>>
      %dma_start3A_279 = tpu.memref_squeeze %dma_start3A_278 : memref<1x200x128xf32, #tpu.memory_space<vmem>> -> memref<200x128xf32, #tpu.memory_space<vmem>>
      tpu.enqueue_dma source(%dma_start3A_279 : memref<200x128xf32, #tpu.memory_space<vmem>>) target(%dma_start3A_275 : memref<200x128xf32, #tpu.memory_space<hbm>>) target_semaphore(%arg14 : memref<!tpu.dma_semaphore, #tpu.memory_space<semaphore_mem>>)
      %ge3A_280 = arith.constant 2 : i32
      %ge3A_281 = arith.cmpi sge, %add3A_248, %ge3A_280 : i32
      %convert_element_type3A_282 = arith.extui %ge3A_281 : i1 to i32
      %cond3A_283 = arith.constant 0 : i32
      %cond3A_284 = arith.cmpi ne, %convert_element_type3A_282, %cond3A_283 : i32
      scf.if %cond3A_284 {
        %dma_wait3A_339 = arith.constant 0 : i32
        %dma_wait3A_340 = arith.constant 0 : i32
        %dma_wait3A_341 = arith.constant 0 : i32
        %dma_wait3A_342 = arith.constant 0 : i32
        %dma_wait3A_343 = tpu.memref_slice %arg6[%dma_wait3A_339, %dma_wait3A_341, %dma_wait3A_342] : memref<4x200x128xf32, #tpu.memory_space<vmem>> -> memref<1x200x128xf32, #tpu.memory_space<vmem>>
        %dma_wait3A_344 = tpu.memref_squeeze %dma_wait3A_343 : memref<1x200x128xf32, #tpu.memory_space<vmem>> -> memref<200x128xf32, #tpu.memory_space<vmem>>
        %dma_wait3A_345 = arith.constant 0 : i32
        %dma_wait3A_346 = arith.constant 0 : i32
        %dma_wait3A_347 = tpu.memref_slice %arg4[%dma_wait3A_340, %dma_wait3A_345, %dma_wait3A_346] : memref<16384x200x128xf32, #tpu.memory_space<hbm>> -> memref<1x200x128xf32, #tpu.memory_space<hbm>>
        %dma_wait3A_348 = tpu.memref_squeeze %dma_wait3A_347 : memref<1x200x128xf32, #tpu.memory_space<hbm>> -> memref<200x128xf32, #tpu.memory_space<hbm>>
        %dma_wait3A_349 = arith.constant 0 : i32
        %dma_wait3A_350 = arith.constant 0 : i32
        %dma_wait3A_351 = tpu.memref_slice %arg4[%dma_wait3A_340, %dma_wait3A_349, %dma_wait3A_350] : memref<16384x200x128xf32, #tpu.memory_space<hbm>> -> memref<1x200x128xf32, #tpu.memory_space<hbm>>
        %dma_wait3A_352 = tpu.memref_squeeze %dma_wait3A_351 : memref<1x200x128xf32, #tpu.memory_space<hbm>> -> memref<200x128xf32, #tpu.memory_space<hbm>>
        %dma_wait3A_353 = arith.constant 0 : i32
        %dma_wait3A_354 = arith.constant 0 : i32
        %dma_wait3A_355 = tpu.memref_slice %arg6[%dma_wait3A_339, %dma_wait3A_353, %dma_wait3A_354] : memref<4x200x128xf32, #tpu.memory_space<vmem>> -> memref<1x200x128xf32, #tpu.memory_space<vmem>>
        %dma_wait3A_356 = tpu.memref_squeeze %dma_wait3A_355 : memref<1x200x128xf32, #tpu.memory_space<vmem>> -> memref<200x128xf32, #tpu.memory_space<vmem>>
        tpu.wait_dma2 semaphore(%arg12 : memref<!tpu.dma_semaphore, #tpu.memory_space<semaphore_mem>>) src(%dma_wait3A_356 : memref<200x128xf32, #tpu.memory_space<vmem>>) dst(%dma_wait3A_352 : memref<200x128xf32, #tpu.memory_space<hbm>>)
      } else {
      }
      %add3A_285 = arith.constant 2 : i32
      %add3A_286 = arith.addi %add3A_248, %add3A_285 : i32
      %lt3A_287 = arith.constant 512 : i32
      %lt3A_288 = arith.cmpi slt, %add3A_286, %lt3A_287 : i32
      %convert_element_type3A_289 = arith.extui %lt3A_288 : i1 to i32
      %cond3A_290 = arith.constant 0 : i32
      %cond3A_291 = arith.cmpi ne, %convert_element_type3A_289, %cond3A_290 : i32
      scf.if %cond3A_291 {
        %add3A_339 = arith.constant 2 : i32
        %add3A_340 = arith.addi %add3A_248, %add3A_339 : i32
        %div3A_341 = arith.constant 32 : i32
        %div3A_342 = arith.divsi %add3A_340, %div3A_341 : i32
        %rem3A_343 = arith.constant 2 : i32
        %rem3A_344 = arith.remsi %div3A_342, %rem3A_343 : i32
        %rem3A_345 = arith.constant 32 : i32
        %rem3A_346 = arith.remsi %add3A_340, %rem3A_345 : i32
        %dma_start3A_347 = arith.constant 0 : i32
        %dma_start3A_348 = arith.constant 0 : i32
        %dma_start3A_349 = arith.constant 0 : i32
        %dma_start3A_350 = tpu.memref_slice %arg6[%dma_start3A_347, %dma_start3A_348, %dma_start3A_349] : memref<4x200x128xf32, #tpu.memory_space<vmem>> -> memref<1x128x128xf32, #tpu.memory_space<vmem>>
        %dma_start3A_351 = tpu.memref_squeeze %dma_start3A_350 : memref<1x128x128xf32, #tpu.memory_space<vmem>> -> memref<128x128xf32, #tpu.memory_space<vmem>>
        %dma_start3A_352 = arith.constant 0 : i32
        %dma_start3A_353 = tpu.memref_slice %arg5[%rem3A_344, %rem3A_346, %dma_start3A_352] : memref<2x32x200xi32, #tpu.memory_space<vmem>> -> memref<1x1x128xi32, #tpu.memory_space<vmem>>
        %dma_start3A_354 = tpu.memref_squeeze %dma_start3A_353 : memref<1x1x128xi32, #tpu.memory_space<vmem>> -> memref<128xi32, #tpu.memory_space<vmem>>
        %dma_start3A_355 = arith.constant 0 : i32
        %dma_start3A_356 = arith.constant 0 : i32
        %dma_start3A_357 = tpu.memref_slice %arg7[%dma_start3A_355, %dma_start3A_356] : memref<1024x128xf32, #tpu.memory_space<vmem_shared>> -> memref<1024x128xf32, #tpu.memory_space<vmem_shared>>
        tpu.enqueue_indirect_dma source(%dma_start3A_357 : memref<1024x128xf32, #tpu.memory_space<vmem_shared>>) target(%dma_start3A_351 : memref<128x128xf32, #tpu.memory_space<vmem>>) offsets(%dma_start3A_354 : memref<128xi32, #tpu.memory_space<vmem>>) semaphore(%arg8 : memref<!tpu.dma_semaphore, #tpu.memory_space<semaphore_mem>>)
        %dma_start3A_358 = arith.constant 0 : i32
        %dma_start3A_359 = arith.constant 128 : i32
        %dma_start3A_360 = arith.constant 0 : i32
        %dma_start3A_361 = tpu.memref_slice %arg6[%dma_start3A_358, %dma_start3A_359, %dma_start3A_360] : memref<4x200x128xf32, #tpu.memory_space<vmem>> -> memref<1x72x128xf32, #tpu.memory_space<vmem>>
        %dma_start3A_362 = tpu.memref_squeeze %dma_start3A_361 : memref<1x72x128xf32, #tpu.memory_space<vmem>> -> memref<72x128xf32, #tpu.memory_space<vmem>>
        %dma_start3A_363 = arith.constant 128 : i32
        %dma_start3A_364 = tpu.memref_slice %arg5[%rem3A_344, %rem3A_346, %dma_start3A_363] : memref<2x32x200xi32, #tpu.memory_space<vmem>> -> memref<1x1x72xi32, #tpu.memory_space<vmem>>
        %dma_start3A_365 = tpu.memref_squeeze %dma_start3A_364 : memref<1x1x72xi32, #tpu.memory_space<vmem>> -> memref<72xi32, #tpu.memory_space<vmem>>
        %dma_start3A_366 = arith.constant 0 : i32
        %dma_start3A_367 = arith.constant 0 : i32
        %dma_start3A_368 = tpu.memref_slice %arg7[%dma_start3A_366, %dma_start3A_367] : memref<1024x128xf32, #tpu.memory_space<vmem_shared>> -> memref<1024x128xf32, #tpu.memory_space<vmem_shared>>
        tpu.enqueue_indirect_dma source(%dma_start3A_368 : memref<1024x128xf32, #tpu.memory_space<vmem_shared>>) target(%dma_start3A_362 : memref<72x128xf32, #tpu.memory_space<vmem>>) offsets(%dma_start3A_365 : memref<72xi32, #tpu.memory_space<vmem>>) semaphore(%arg8 : memref<!tpu.dma_semaphore, #tpu.memory_space<semaphore_mem>>)
      } else {
      }
      %mul3A_292 = arith.constant 4 : i32
      %mul3A_293 = arith.muli %mul3A_292, %scan3A_137 : i32
      %add3A_294 = arith.constant 3 : i32
      %add3A_295 = arith.addi %mul3A_293, %add3A_294 : i32
      %dma_wait3A_296 = arith.constant 0 : i32
      %dma_wait3A_297 = arith.constant 0 : i32
      %dma_wait3A_298 = arith.constant 3 : i32
      %dma_wait3A_299 = arith.constant 0 : i32
      %dma_wait3A_300 = arith.constant 0 : i32
      %dma_wait3A_301 = tpu.memref_slice %arg6[%dma_wait3A_298, %dma_wait3A_299, %dma_wait3A_300] : memref<4x200x128xf32, #tpu.memory_space<vmem>> -> memref<1x200x128xf32, #tpu.memory_space<vmem>>
      %dma_wait3A_302 = tpu.memref_squeeze %dma_wait3A_301 : memref<1x200x128xf32, #tpu.memory_space<vmem>> -> memref<200x128xf32, #tpu.memory_space<vmem>>
      %dma_wait3A_303 = arith.constant 0 : i32
      %dma_wait3A_304 = tpu.memref_slice %arg5[%dma_wait3A_296, %dma_wait3A_297, %dma_wait3A_303] : memref<2x32x200xi32, #tpu.memory_space<vmem>> -> memref<1x1x200xi32, #tpu.memory_space<vmem>>
      %dma_wait3A_305 = tpu.memref_squeeze %dma_wait3A_304 : memref<1x1x200xi32, #tpu.memory_space<vmem>> -> memref<200xi32, #tpu.memory_space<vmem>>
      %dma_wait3A_306 = arith.constant 0 : i32
      %dma_wait3A_307 = arith.constant 0 : i32
      %dma_wait3A_308 = tpu.memref_slice %arg7[%dma_wait3A_306, %dma_wait3A_307] : memref<1024x128xf32, #tpu.memory_space<vmem_shared>> -> memref<1024x128xf32, #tpu.memory_space<vmem_shared>>
      tpu.wait_indirect_dma semaphore(%arg11 : memref<!tpu.dma_semaphore, #tpu.memory_space<semaphore_mem>>) src(%dma_wait3A_308 : memref<1024x128xf32, #tpu.memory_space<vmem_shared>>) dst(%dma_wait3A_302 : memref<200x128xf32, #tpu.memory_space<vmem>>)
      %add3A_309 = arith.addi %mul3A_2, %add3A_295 : i32
      %dma_start3A_310 = arith.constant 3 : i32
      %dma_start3A_311 = arith.constant 0 : i32
      %dma_start3A_312 = arith.constant 0 : i32
      %dma_start3A_313 = tpu.memref_slice %arg6[%dma_start3A_310, %dma_start3A_311, %dma_start3A_312] : memref<4x200x128xf32, #tpu.memory_space<vmem>> -> memref<1x200x128xf32, #tpu.memory_space<vmem>>
      %dma_start3A_314 = tpu.memref_squeeze %dma_start3A_313 : memref<1x200x128xf32, #tpu.memory_space<vmem>> -> memref<200x128xf32, #tpu.memory_space<vmem>>
      %dma_start3A_315 = arith.constant 0 : i32
      %dma_start3A_316 = arith.constant 0 : i32
      %dma_start3A_317 = tpu.memref_slice %arg4[%add3A_309, %dma_start3A_315, %dma_start3A_316] : memref<16384x200x128xf32, #tpu.memory_space<hbm>> -> memref<1x200x128xf32, #tpu.memory_space<hbm>>
      %dma_start3A_318 = tpu.memref_squeeze %dma_start3A_317 : memref<1x200x128xf32, #tpu.memory_space<hbm>> -> memref<200x128xf32, #tpu.memory_space<hbm>>
      %dma_start3A_319 = arith.constant 0 : i32
      %dma_start3A_320 = arith.constant 0 : i32
      %dma_start3A_321 = tpu.memref_slice %arg4[%add3A_309, %dma_start3A_319, %dma_start3A_320] : memref<16384x200x128xf32, #tpu.memory_space<hbm>> -> memref<1x200x128xf32, #tpu.memory_space<hbm>>
      %dma_start3A_322 = tpu.memref_squeeze %dma_start3A_321 : memref<1x200x128xf32, #tpu.memory_space<hbm>> -> memref<200x128xf32, #tpu.memory_space<hbm>>
      %dma_start3A_323 = arith.constant 0 : i32
      %dma_start3A_324 = arith.constant 0 : i32
      %dma_start3A_325 = tpu.memref_slice %arg6[%dma_start3A_310, %dma_start3A_323, %dma_start3A_324] : memref<4x200x128xf32, #tpu.memory_space<vmem>> -> memref<1x200x128xf32, #tpu.memory_space<vmem>>
      %dma_start3A_326 = tpu.memref_squeeze %dma_start3A_325 : memref<1x200x128xf32, #tpu.memory_space<vmem>> -> memref<200x128xf32, #tpu.memory_space<vmem>>
      tpu.enqueue_dma source(%dma_start3A_326 : memref<200x128xf32, #tpu.memory_space<vmem>>) target(%dma_start3A_322 : memref<200x128xf32, #tpu.memory_space<hbm>>) target_semaphore(%arg15 : memref<!tpu.dma_semaphore, #tpu.memory_space<semaphore_mem>>)
      %ge3A_327 = arith.constant 2 : i32
      %ge3A_328 = arith.cmpi sge, %add3A_295, %ge3A_327 : i32
      %convert_element_type3A_329 = arith.extui %ge3A_328 : i1 to i32
      %cond3A_330 = arith.constant 0 : i32
      %cond3A_331 = arith.cmpi ne, %convert_element_type3A_329, %cond3A_330 : i32
      scf.if %cond3A_331 {
        %dma_wait3A_339 = arith.constant 1 : i32
        %dma_wait3A_340 = arith.constant 0 : i32
        %dma_wait3A_341 = arith.constant 0 : i32
        %dma_wait3A_342 = arith.constant 0 : i32
        %dma_wait3A_343 = tpu.memref_slice %arg6[%dma_wait3A_339, %dma_wait3A_341, %dma_wait3A_342] : memref<4x200x128xf32, #tpu.memory_space<vmem>> -> memref<1x200x128xf32, #tpu.memory_space<vmem>>
        %dma_wait3A_344 = tpu.memref_squeeze %dma_wait3A_343 : memref<1x200x128xf32, #tpu.memory_space<vmem>> -> memref<200x128xf32, #tpu.memory_space<vmem>>
        %dma_wait3A_345 = arith.constant 0 : i32
        %dma_wait3A_346 = arith.constant 0 : i32
        %dma_wait3A_347 = tpu.memref_slice %arg4[%dma_wait3A_340, %dma_wait3A_345, %dma_wait3A_346] : memref<16384x200x128xf32, #tpu.memory_space<hbm>> -> memref<1x200x128xf32, #tpu.memory_space<hbm>>
        %dma_wait3A_348 = tpu.memref_squeeze %dma_wait3A_347 : memref<1x200x128xf32, #tpu.memory_space<hbm>> -> memref<200x128xf32, #tpu.memory_space<hbm>>
        %dma_wait3A_349 = arith.constant 0 : i32
        %dma_wait3A_350 = arith.constant 0 : i32
        %dma_wait3A_351 = tpu.memref_slice %arg4[%dma_wait3A_340, %dma_wait3A_349, %dma_wait3A_350] : memref<16384x200x128xf32, #tpu.memory_space<hbm>> -> memref<1x200x128xf32, #tpu.memory_space<hbm>>
        %dma_wait3A_352 = tpu.memref_squeeze %dma_wait3A_351 : memref<1x200x128xf32, #tpu.memory_space<hbm>> -> memref<200x128xf32, #tpu.memory_space<hbm>>
        %dma_wait3A_353 = arith.constant 0 : i32
        %dma_wait3A_354 = arith.constant 0 : i32
        %dma_wait3A_355 = tpu.memref_slice %arg6[%dma_wait3A_339, %dma_wait3A_353, %dma_wait3A_354] : memref<4x200x128xf32, #tpu.memory_space<vmem>> -> memref<1x200x128xf32, #tpu.memory_space<vmem>>
        %dma_wait3A_356 = tpu.memref_squeeze %dma_wait3A_355 : memref<1x200x128xf32, #tpu.memory_space<vmem>> -> memref<200x128xf32, #tpu.memory_space<vmem>>
        tpu.wait_dma2 semaphore(%arg13 : memref<!tpu.dma_semaphore, #tpu.memory_space<semaphore_mem>>) src(%dma_wait3A_356 : memref<200x128xf32, #tpu.memory_space<vmem>>) dst(%dma_wait3A_352 : memref<200x128xf32, #tpu.memory_space<hbm>>)
      } else {
      }
      %add3A_332 = arith.constant 2 : i32
      %add3A_333 = arith.addi %add3A_295, %add3A_332 : i32
      %lt3A_334 = arith.constant 512 : i32
      %lt3A_335 = arith.cmpi slt, %add3A_333, %lt3A_334 : i32
      %convert_element_type3A_336 = arith.extui %lt3A_335 : i1 to i32
      %cond3A_337 = arith.constant 0 : i32
      %cond3A_338 = arith.cmpi ne, %convert_element_type3A_336, %cond3A_337 : i32
      scf.if %cond3A_338 {
        %add3A_339 = arith.constant 2 : i32
        %add3A_340 = arith.addi %add3A_295, %add3A_339 : i32
        %div3A_341 = arith.constant 32 : i32
        %div3A_342 = arith.divsi %add3A_340, %div3A_341 : i32
        %rem3A_343 = arith.constant 2 : i32
        %rem3A_344 = arith.remsi %div3A_342, %rem3A_343 : i32
        %rem3A_345 = arith.constant 32 : i32
        %rem3A_346 = arith.remsi %add3A_340, %rem3A_345 : i32
        %dma_start3A_347 = arith.constant 1 : i32
        %dma_start3A_348 = arith.constant 0 : i32
        %dma_start3A_349 = arith.constant 0 : i32
        %dma_start3A_350 = tpu.memref_slice %arg6[%dma_start3A_347, %dma_start3A_348, %dma_start3A_349] : memref<4x200x128xf32, #tpu.memory_space<vmem>> -> memref<1x128x128xf32, #tpu.memory_space<vmem>>
        %dma_start3A_351 = tpu.memref_squeeze %dma_start3A_350 : memref<1x128x128xf32, #tpu.memory_space<vmem>> -> memref<128x128xf32, #tpu.memory_space<vmem>>
        %dma_start3A_352 = arith.constant 0 : i32
        %dma_start3A_353 = tpu.memref_slice %arg5[%rem3A_344, %rem3A_346, %dma_start3A_352] : memref<2x32x200xi32, #tpu.memory_space<vmem>> -> memref<1x1x128xi32, #tpu.memory_space<vmem>>
        %dma_start3A_354 = tpu.memref_squeeze %dma_start3A_353 : memref<1x1x128xi32, #tpu.memory_space<vmem>> -> memref<128xi32, #tpu.memory_space<vmem>>
        %dma_start3A_355 = arith.constant 0 : i32
        %dma_start3A_356 = arith.constant 0 : i32
        %dma_start3A_357 = tpu.memref_slice %arg7[%dma_start3A_355, %dma_start3A_356] : memref<1024x128xf32, #tpu.memory_space<vmem_shared>> -> memref<1024x128xf32, #tpu.memory_space<vmem_shared>>
        tpu.enqueue_indirect_dma source(%dma_start3A_357 : memref<1024x128xf32, #tpu.memory_space<vmem_shared>>) target(%dma_start3A_351 : memref<128x128xf32, #tpu.memory_space<vmem>>) offsets(%dma_start3A_354 : memref<128xi32, #tpu.memory_space<vmem>>) semaphore(%arg9 : memref<!tpu.dma_semaphore, #tpu.memory_space<semaphore_mem>>)
        %dma_start3A_358 = arith.constant 1 : i32
        %dma_start3A_359 = arith.constant 128 : i32
        %dma_start3A_360 = arith.constant 0 : i32
        %dma_start3A_361 = tpu.memref_slice %arg6[%dma_start3A_358, %dma_start3A_359, %dma_start3A_360] : memref<4x200x128xf32, #tpu.memory_space<vmem>> -> memref<1x72x128xf32, #tpu.memory_space<vmem>>
        %dma_start3A_362 = tpu.memref_squeeze %dma_start3A_361 : memref<1x72x128xf32, #tpu.memory_space<vmem>> -> memref<72x128xf32, #tpu.memory_space<vmem>>
        %dma_start3A_363 = arith.constant 128 : i32
        %dma_start3A_364 = tpu.memref_slice %arg5[%rem3A_344, %rem3A_346, %dma_start3A_363] : memref<2x32x200xi32, #tpu.memory_space<vmem>> -> memref<1x1x72xi32, #tpu.memory_space<vmem>>
        %dma_start3A_365 = tpu.memref_squeeze %dma_start3A_364 : memref<1x1x72xi32, #tpu.memory_space<vmem>> -> memref<72xi32, #tpu.memory_space<vmem>>
        %dma_start3A_366 = arith.constant 0 : i32
        %dma_start3A_367 = arith.constant 0 : i32
        %dma_start3A_368 = tpu.memref_slice %arg7[%dma_start3A_366, %dma_start3A_367] : memref<1024x128xf32, #tpu.memory_space<vmem_shared>> -> memref<1024x128xf32, #tpu.memory_space<vmem_shared>>
        tpu.enqueue_indirect_dma source(%dma_start3A_368 : memref<1024x128xf32, #tpu.memory_space<vmem_shared>>) target(%dma_start3A_362 : memref<72x128xf32, #tpu.memory_space<vmem>>) offsets(%dma_start3A_365 : memref<72xi32, #tpu.memory_space<vmem>>) semaphore(%arg9 : memref<!tpu.dma_semaphore, #tpu.memory_space<semaphore_mem>>)
      } else {
      }
    }
    %scan3A_100 = arith.constant 128 : i32
    %dma_wait3A_101 = arith.constant 2 : i32
    %dma_wait3A_102 = arith.constant 0 : i32
    %dma_wait3A_103 = arith.constant 0 : i32
    %dma_wait3A_104 = arith.constant 0 : i32
    %dma_wait3A_105 = tpu.memref_slice %arg6[%dma_wait3A_101, %dma_wait3A_103, %dma_wait3A_104] : memref<4x200x128xf32, #tpu.memory_space<vmem>> -> memref<1x200x128xf32, #tpu.memory_space<vmem>>
    %dma_wait3A_106 = tpu.memref_squeeze %dma_wait3A_105 : memref<1x200x128xf32, #tpu.memory_space<vmem>> -> memref<200x128xf32, #tpu.memory_space<vmem>>
    %dma_wait3A_107 = arith.constant 0 : i32
    %dma_wait3A_108 = arith.constant 0 : i32
    %dma_wait3A_109 = tpu.memref_slice %arg4[%dma_wait3A_102, %dma_wait3A_107, %dma_wait3A_108] : memref<16384x200x128xf32, #tpu.memory_space<hbm>> -> memref<1x200x128xf32, #tpu.memory_space<hbm>>
    %dma_wait3A_110 = tpu.memref_squeeze %dma_wait3A_109 : memref<1x200x128xf32, #tpu.memory_space<hbm>> -> memref<200x128xf32, #tpu.memory_space<hbm>>
    %dma_wait3A_111 = arith.constant 0 : i32
    %dma_wait3A_112 = arith.constant 0 : i32
    %dma_wait3A_113 = tpu.memref_slice %arg4[%dma_wait3A_102, %dma_wait3A_111, %dma_wait3A_112] : memref<16384x200x128xf32, #tpu.memory_space<hbm>> -> memref<1x200x128xf32, #tpu.memory_space<hbm>>
    %dma_wait3A_114 = tpu.memref_squeeze %dma_wait3A_113 : memref<1x200x128xf32, #tpu.memory_space<hbm>> -> memref<200x128xf32, #tpu.memory_space<hbm>>
    %dma_wait3A_115 = arith.constant 0 : i32
    %dma_wait3A_116 = arith.constant 0 : i32
    %dma_wait3A_117 = tpu.memref_slice %arg6[%dma_wait3A_101, %dma_wait3A_115, %dma_wait3A_116] : memref<4x200x128xf32, #tpu.memory_space<vmem>> -> memref<1x200x128xf32, #tpu.memory_space<vmem>>
    %dma_wait3A_118 = tpu.memref_squeeze %dma_wait3A_117 : memref<1x200x128xf32, #tpu.memory_space<vmem>> -> memref<200x128xf32, #tpu.memory_space<vmem>>
    tpu.wait_dma2 semaphore(%arg14 : memref<!tpu.dma_semaphore, #tpu.memory_space<semaphore_mem>>) src(%dma_wait3A_118 : memref<200x128xf32, #tpu.memory_space<vmem>>) dst(%dma_wait3A_114 : memref<200x128xf32, #tpu.memory_space<hbm>>)
    %dma_wait3A_119 = arith.constant 3 : i32
    %dma_wait3A_120 = arith.constant 0 : i32
    %dma_wait3A_121 = arith.constant 0 : i32
    %dma_wait3A_122 = arith.constant 0 : i32
    %dma_wait3A_123 = tpu.memref_slice %arg6[%dma_wait3A_119, %dma_wait3A_121, %dma_wait3A_122] : memref<4x200x128xf32, #tpu.memory_space<vmem>> -> memref<1x200x128xf32, #tpu.memory_space<vmem>>
    %dma_wait3A_124 = tpu.memref_squeeze %dma_wait3A_123 : memref<1x200x128xf32, #tpu.memory_space<vmem>> -> memref<200x128xf32, #tpu.memory_space<vmem>>
    %dma_wait3A_125 = arith.constant 0 : i32
    %dma_wait3A_126 = arith.constant 0 : i32
    %dma_wait3A_127 = tpu.memref_slice %arg4[%dma_wait3A_120, %dma_wait3A_125, %dma_wait3A_126] : memref<16384x200x128xf32, #tpu.memory_space<hbm>> -> memref<1x200x128xf32, #tpu.memory_space<hbm>>
    %dma_wait3A_128 = tpu.memref_squeeze %dma_wait3A_127 : memref<1x200x128xf32, #tpu.memory_space<hbm>> -> memref<200x128xf32, #tpu.memory_space<hbm>>
    %dma_wait3A_129 = arith.constant 0 : i32
    %dma_wait3A_130 = arith.constant 0 : i32
    %dma_wait3A_131 = tpu.memref_slice %arg4[%dma_wait3A_120, %dma_wait3A_129, %dma_wait3A_130] : memref<16384x200x128xf32, #tpu.memory_space<hbm>> -> memref<1x200x128xf32, #tpu.memory_space<hbm>>
    %dma_wait3A_132 = tpu.memref_squeeze %dma_wait3A_131 : memref<1x200x128xf32, #tpu.memory_space<hbm>> -> memref<200x128xf32, #tpu.memory_space<hbm>>
    %dma_wait3A_133 = arith.constant 0 : i32
    %dma_wait3A_134 = arith.constant 0 : i32
    %dma_wait3A_135 = tpu.memref_slice %arg6[%dma_wait3A_119, %dma_wait3A_133, %dma_wait3A_134] : memref<4x200x128xf32, #tpu.memory_space<vmem>> -> memref<1x200x128xf32, #tpu.memory_space<vmem>>
    %dma_wait3A_136 = tpu.memref_squeeze %dma_wait3A_135 : memref<1x200x128xf32, #tpu.memory_space<vmem>> -> memref<200x128xf32, #tpu.memory_space<vmem>>
    tpu.wait_dma2 semaphore(%arg15 : memref<!tpu.dma_semaphore, #tpu.memory_space<semaphore_mem>>) src(%dma_wait3A_136 : memref<200x128xf32, #tpu.memory_space<vmem>>) dst(%dma_wait3A_132 : memref<200x128xf32, #tpu.memory_space<hbm>>)
    return
  }
}

</mosaic_0001>

<sc_bundles>
// kernel: kernel.3.cloned.1.call-start
scs
__scs_entry_jumppad:
0x0: {  	(pc) =	sbr.rel $0x88, $3  }
0x1: {  	(tag) =	ssettag $0x0;
	lr =	simm.s32 $0x1  }
0x2: {  	[smem:$0x3F9F] =	sst lr;
	_ =	strace $0xD0000000  }
0x3: {  	_ = 	snop  }
0x4: {  	_ = 	snop  }
0x5: {  	_ = 	snop  }
0x6: {  	_ = 	snop  }
0x7: {  	_ = 	snop  }
__scs_overlays_trampoline_lowered:
0x8: {  	[smem:$0x3FAE] =	sst s0  }
0x9: {  	[smem:$0x3FAF] =	sst s1  }
0xa: {  	[smem:$0x3FB0] =	sst s2  }
0xb: {  	[smem:$0x3FB1] =	sst s3  }
0xc: {  	[smem:$0x3FB2] =	sst s4  }
0xd: {  	[smem:$0x3FB3] =	sst s5  }
0xe: {  	[smem:$0x3FB4] =	sst s6  }
0xf: {  	[smem:$0x3FB5] =	sst s7  }
0x10: {  	[smem:$0x3FB6] =	sst s8  }
0x11: {  	[smem:$0x3FB7] =	sst s9;
	s0 =	simm.s32 @!p0 $0x0  }
0x12: {  	s1 =	sld [smem:$0x3F9D];
	s0 =	simm.s32 @p0 $0x1  }
0x13: {  	[smem:$0x3FB8] =	sst s0;
	s0 =	simm.s32 @!p1 $0x0  }
0x14: {  	s2 =	sld [smem:$0x3F9C];
	s0 =	simm.s32 @p1 $0x1  }
0x15: {  	[smem:$0x3FB9] =	sst s0;
	s0 =	simm.s32 @!p2 $0x0  }
0x16: {  	s3 =	sld [smem:$0x3FDB];
	s0 =	simm.s32 @p2 $0x1  }
0x17: {  	s4 =	simm.s32 $0x1BF5;
	[smem:$0x3FBB] =	sst s0  }
0x18: {  	s0 =	sld [smem:$0x3F9E];
	_ =	swait.ge [sflag:s4], $0x0  }
0x19: {  	s7 =	sld [smem:$0x3F9F]  }
0x1a: {  	s8 =	sadd.s32 $0xFFFFE003, lr  }
0x1b: {  	s9 =	sadd.s32 $0xFFFFFEF7, lr;
	s5 =	simm.s32 $0xFFFFFFFF;
	p2 =	slt.u32 s8, $0xFFFFF086  }
0x1c: {  	p1 =	slt.u32 s9, $0xF7A;
	s5 =	simm.s32 @!p2 $0x0  }
0x1d: {  	s5 =	simm.s32 @p1 $0x1;
	p0 =	seq.s32 s7, s2  }
0x1e: {  	s7 =	smul.u32 @!p0 $0xF7A, s2;
	p2 =	seq.s32 @!p0 s5, $0x0  }
0x1f: {  	s9 =	smul.u32 $0xF7A, s1;
	s8 =	simm.s32 @!p0 $0x1BF5;
	p2 =	por !p2, p0  }
0x20: {  	[sflag:s8] =	ssyncset.s32 @!p0 $0xFFFFF086;
	s6 =	sadd.s32 @!p0 s3, s7;
	s7 =	simm.s32 @!p0 $0x108  }
0x21: {  	s3 =	sadd.s32 s3, s9;
	s6 =	sadd.s32 @!p0 $0x88, s6;
	s7 =	simm.s32 @p2 $0x1082  }
0x22: {  	[simem:s7], [sflag:s8] =	dma.local @!p0 [hbm:s6], $0xF7A  }
0x23: {  	s9 =	sor.u32 $0xD0000000, s2;
	s6 =	simm.s32 $0x108;
	_ =	swait.ge @!p0 [sflag:s8], $0x0  }
0x24: {  	s3 =	sadd.s32 $0x88, s3;
	s6 =	simm.s32 @!p1 $0x1082;
	[sflag:s4] =	ssyncset.s32 $0xFFFFF086  }
0x25: {  	[simem:s6], [sflag:s4] =	dma.local [hbm:s3], $0xF7A  }
0x26: {  	[smem:$0x3F9F] =	sst s1;
	(tag) =	ssettag s2;
	_ =	strace s9  }
0x27: {  	s1 =	sld [smem:$0x3FAF]  }
0x28: {  	s2 =	sld [smem:$0x3FB0]  }
0x29: {  	s4 =	sld [smem:$0x3FB2]  }
0x2a: {  	p0 =	seq.s32 s5, $0x0;
	s5 =	sld [smem:$0x3FB3]  }
0x2b: {  	s6 =	sld [smem:$0x3FB4]  }
0x2c: {  	s7 =	sld [smem:$0x3FB5]  }
0x2d: {  	s3 =	simm.s32 $0x108;
	s8 =	sld [smem:$0x3FB6]  }
0x2e: {  	s3 =	simm.s32 @!p0 $0x1082;
	s9 =	sld [smem:$0x3FB7]  }
0x2f: {  	lr =	sadd.s32 s0, s3;
	s0 =	sld [smem:$0x3FAE]  }
0x30: {  	s3 =	sld [smem:$0x3FB1]  }
0x31: {  	[smem:$0x3FBA] =	sst s10  }
0x32: {  	s10 =	sld [smem:$0x3FB8];
	_ =	sdelay $0x3  }
0x33: {  	p0 =	seq.s32 s10, $0x1;
	s10 =	sld [smem:$0x3FBA];
	_ =	sdelay $0x3  }
0x34: {  	[smem:$0x3FBA] =	sst s10  }
0x35: {  	s10 =	sld [smem:$0x3FB9];
	_ =	sdelay $0x3  }
0x36: {  	p1 =	seq.s32 s10, $0x1;
	s10 =	sld [smem:$0x3FBA];
	_ =	sdelay $0x3  }
0x37: {  	[smem:$0x3FBA] =	sst s10  }
0x38: {  	s10 =	sld [smem:$0x3FBB]  }
0x39: {  	_ = 	snop;
	(pc) =	sbr.ind lr, $3  }
0x3a: {  	_ = 	snop  }
0x3b: {  	_ = 	snop  }
0x3c: {  	p2 =	seq.s32 s10, $0x1;
	s10 =	sld [smem:$0x3FBA]  }
0x3d: {  	_ =	shalt  }
0x3e: {  	_ =	shalt  }
0x3f: {  	_ =	shalt  }
0x40: {  	_ =	shalt  }
0x41: {  	_ =	shalt  }
0x42: {  	_ =	shalt  }
0x43: {  	_ =	shalt  }
0x44: {  	_ =	shalt  }
0x45: {  	_ =	shalt  }
0x46: {  	_ =	shalt  }
0x47: {  	_ =	shalt  }
0x48: {  	_ =	shalt  }
0x49: {  	_ =	shalt  }
0x4a: {  	_ =	shalt  }
0x4b: {  	_ =	shalt  }
0x4c: {  	_ =	shalt  }
0x4d: {  	_ =	shalt  }
0x4e: {  	_ =	shalt  }
0x4f: {  	_ =	shalt  }
0x50: {  	_ =	shalt  }
0x51: {  	_ =	shalt  }
0x52: {  	_ =	shalt  }
0x53: {  	_ =	shalt  }
0x54: {  	_ =	shalt  }
0x55: {  	_ =	shalt  }
0x56: {  	_ =	shalt  }
0x57: {  	_ =	shalt  }
0x58: {  	_ =	shalt  }
0x59: {  	_ =	shalt  }
0x5a: {  	_ =	shalt  }
0x5b: {  	_ =	shalt  }
0x5c: {  	_ =	shalt  }
0x5d: {  	_ =	shalt  }
0x5e: {  	_ =	shalt  }
0x5f: {  	_ =	shalt  }
0x60: {  	_ =	shalt  }
0x61: {  	_ =	shalt  }
0x62: {  	_ =	shalt  }
0x63: {  	_ =	shalt  }
0x64: {  	_ =	shalt  }
0x65: {  	_ =	shalt  }
0x66: {  	_ =	shalt  }
0x67: {  	_ =	shalt  }
0x68: {  	_ =	shalt  }
0x69: {  	_ =	shalt  }
0x6a: {  	_ =	shalt  }
0x6b: {  	_ =	shalt  }
0x6c: {  	_ =	shalt  }
0x6d: {  	_ =	shalt  }
0x6e: {  	_ =	shalt  }
0x6f: {  	_ =	shalt  }
0x70: {  	_ =	shalt  }
0x71: {  	_ =	shalt  }
0x72: {  	_ =	shalt  }
0x73: {  	_ =	shalt  }
0x74: {  	_ =	shalt  }
0x75: {  	_ =	shalt  }
0x76: {  	_ =	shalt  }
0x77: {  	_ =	shalt  }
0x78: {  	_ =	shalt  }
0x79: {  	_ =	shalt  }
0x7a: {  	_ =	shalt  }
0x7b: {  	_ =	shalt  }
0x7c: {  	_ =	shalt  }
0x7d: {  	_ =	shalt  }
0x7e: {  	_ =	shalt  }
0x7f: {  	_ =	shalt  }
0x80: {  	_ =	shalt  }
0x81: {  	_ =	shalt  }
0x82: {  	_ =	shalt  }
0x83: {  	_ =	shalt  }
0x84: {  	_ =	shalt  }
0x85: {  	_ =	shalt  }
0x86: {  	_ =	shalt  }
0x87: {  	_ =	shalt  }
.Lfunc_end0:
.L_simem_size_0:
called_computation_lowered:
.L_overlay_start_0:
0x88: {  	s2 =	sld [smem:$0x3FD9]  }
0x89: {  	s3 =	sld [smem:$0x3FFE];
	_ =	sdelay $0x1  }
0x8a: {  	s1 =	srdreg.scid  }
0x8b: {  	s0 =	sand.u32 $0x1, s1  }
0x8c: {  	s17 =	sshll.u32 s0, $0xA;
	s2 =	sadd.s32 s3, s2  }
0x8d: {  	s2 =	sadd.s32 s2, s17  }
0x8e: {  	[smem:$0x3FC6] =	sst s2  }
0x8f: {  	_ = 	snop  }
0x90: {  	s2 =	sld [smem:$0x3FD0];
	(tm) =	ssettm $0x1  }
0x91: {  	s18 =	sld [smem:$0x3FFB];
	_ =	sdelay $0x3  }
0x92: {  	_ =	strace s18  }
0x93: {  	s3 =	sld [smem:$0x3FFC];
	_ =	sdelay $0x3  }
0x94: {  	_ =	strace s3  }
0x95: {  	s3 =	sld [smem:$0x3FFD];
	_ =	sdelay $0x3  }
0x96: {  	_ =	strace s3  }
0x97: {  	_ =	strace $0x8FFFFFFF  }
0x98: {  	s19 =	sld [smem:$0x3FDB];
	_ =	sdelay $0x1  }
0x99: {  	s4 =	simm.s32 $_scs_section_size  }
0x9a: {  	s5 =	simm.s32 $_size__tile_overlayer_lowered;
	s6 =	simm.s32 $_tile_overlayer_lowered  }
0x9b: {  	s22 =	simm.s32 $0x1BFF;
	s21 =	sshll.u32 s6, $0x1;
	s3 =	sadd.s32 s4, s19  }
0x9c: {  	s7 =	simm.s32 $0x0;
	s20 =	sshll.u32 s5, $0x1;
	s5 =	sadd.s32 s21, s3  }
0x9d: {  	[timem:s7], [sflag:s22] =	dma.local [hbm:s5], s20  }
0x9e: {  	_ =	swait.ge [sflag:s22], s20  }
0x9f: {  	s4 =	ssub.s32 $0x0, s20;
	[sflag:s22] =	ssyncset.done $0x0  }
0xa0: {  	[sflag:s22] =	ssyncadd.s32 s4;
	_ =	sdelay $0x1  }
0xa1: {  	s23 =	simm.s32 $0x1B8B  }
0xa2: {  	_ =	swait.ge [sflag:s23], $0x1  }
0xa3: {  	[sflag:s23] =	ssyncset.done $0x0  }
0xa4: {  	s25 =	simm.s32 $0x1B8E;
	s24 =	sld [smem:$0x3FFE];
	[sflag:s23] =	ssyncadd.s32 $0xFFFFFFFF  }
0xa5: {  	s26 =	simm.s32 $execute0_lowered;
	[smem:$0x3FD2] =	sst s25  }
0xa6: {  	s5 =	sshll.u32 s26, $0x1;
	_ =	strace $0x80000046;
	[dreg:$0x1] =	wrdreg $0xFFFFFFFF  }
0xa7: {  	s28 =	simm.s32 $_size_execute0_lowered;
	s3 =	sadd.s32 s3, s5;
	[dreg:$0x0] =	wrdreg $0x0  }
0xa8: {  	s5 =	sshll.u32 s28, $0x1;
	[dreg:$0x2] =	wrdreg s3  }
0xa9: {  	[dreg:$0x3] =	wrdreg s5  }
0xaa: {  	[dreg:$0x4] =	wrdreg $0xC0  }
0xab: {  	_ =	task [dreg:s7], $0x5FFFF  }
0xac: {  	[dreg:$0x1] =	wrdreg $0xFFFFFFFF  }
0xad: {  	[dreg:$0x0] =	wrdreg $0x60  }
0xae: {  	[dreg:$0x2] =	wrdreg s24  }
0xaf: {  	[dreg:$0x3] =	wrdreg s2  }
0xb0: {  	[dreg:$0x4] =	wrdreg $0x1D0000  }
0xb1: {  	[dreg:$0x5] =	wrdreg $0x9  }
0xb2: {  	_ =	task.clear_ibuf [dreg:s7], $0x6FFFF;
	_ =	strace $0x90000046  }
0xb3: {  	s29 =	simm.s32 $0x9;
	_ =	strace $0x80000048  }
0xb4: {  	_ =	swait.ge [sflag:s29], $0x1  }
0xb5: {  	[sflag:s29] =	ssyncadd.s32 $0xFFFFFFFF  }
0xb6: {  	_ =	strace $0x90000048  }
0xb7: {  	_ =	sfence  }
0xb8: {  	s30 =	sld [smem:$0x0];
	_ =	sdelay $0x2  }
0xb9: {  	s31 =	sshll.u32 s1, $0xD;
	s1 =	sshrl.u32 s1, $0x2  }
0xba: {  	s3 =	sand.u32 $0x4000, s31;
	s1 =	sadd.s32 s1, s30  }
0xbb: {  	s0 =	sor.u32 s3, s0;
	s1 =	sshll.u32 s1, $0x11  }
0xbc: {  	s0 =	sor.u32 s1, s0  }
0xbd: {  	s0 =	sadd.s32 $0x8F2B, s0  }
0xbe: {  	[sflag:s0] =	ssyncadd.remote.s32 $0x1  }
0xbf: {  	_ =	sfence.sel $0xFFFF  }
0xc0: {  	[dreg:$0x0] =	wrdreg $0xFFFFFFFF;
	(pc) =	sbr.abs _section_cstart, $3  }
0xc1: {  	[dreg:$0x1] =	wrdreg $0xFFFFFFFF  }
0xc2: {  	_ =	task.clear_ibuf [dreg:s7], $0x2FFFF;
	_ =	strace $0x9FFFFFFF  }
0xc3: {  	(tm) =	ssettm $0x7FFFFFFF  }
tec
execute0_lowered:
.L_overlay_start_1:
0x0: {  	(tag) =	ssettag $0x1  }
0x1: {  	s0 =	rddreg [dreg:$0x0]  }
0x2: {  	s3 =	rddreg [dreg:$0x1]  }
0x3: {  	s1 =	rddreg [dreg:$0x2]  }
0x4: {  	s2 =	simm.s32 $0x0;
	s4 =	srdreg.scid;
	s10 =	stileid.u32  }
0x5: {  	s11 =	simm.s32 $0xA;
	s12 =	simm.s32 $0x9;
	s13 =	simm.s32 $0x80  }
0x6: {  	s14 =	simm.s32 $0x48;
	s17 =	simm.s32 $0xA400;
	s28 =	simm.s32 $0x5  }
0x7: {  	s29 =	simm.s32 $0x4;
	s30 =	simm.s32 $0x6;
	s31 =	simm.s32 $0x7  }
0x8: {  	[smem:$0x7FF] =	sst s2;
	s4 =	sand.u32 $0x1, s4;
	s5 =	sadd.s32 $0x600, s0  }
0x9: {  	s7 =	sshll.u32 s10, $0xA;
	s9 =	sshll.u32 s10, $0xF;
	s24 =	smul.u32 $0x320000, s10  }
0xa: {  	s10 =	simm.s32 $0x4000;
	_ =	strace $0x80000047;
	s6 =	ssub.s32 $0x2, s4  }
0xb: {  	s0 =	sadd.s32 s7, s0;
	s19 =	sshrl.u32 s9, $0x2;
	s21 =	sshll.u32 s4, $0xE  }
0xc: {  	s23 =	sadd.s32 s9, s5;
	s4 =	smul.u32 $0x190000, s4;
	s8 =	sshrl.u32 s6, $0x1  }
0xd: {  	s0 =	sadd.s32 $0x80600, s0;
	s20 =	sadd.s32 s19, s1;
	s22 =	sor.u32 s9, s21  }
0xe: {  	s26 =	sadd.s32 s24, s3;
	s19 =	simm.s32 $0xE400;
	s24 =	simm.s32 $0x16C00  }
0xf: {  	s3 =	simm.s32 $0x0;
	s6 =	ssub.s32 s6, s8;
	[dreg:$0x4] =	wrdreg s0  }
0x10: {  	[dreg:$0x5] =	wrdreg s20;
	s5 =	sadd.s32 s5, s22;
	s0 =	sadd.s32 s21, s23  }
.Ltmp0:
0x11: {  	s20 =	simm.s32 $0x1;
	s21 =	simm.s32 $0x10800;
	(pc) =	sbr.rel .LBB2_1-.Ltmp0, $4  }
0x12: {  	s22 =	simm.s32 $0x14800;
	[dreg:$0x6] =	wrdreg s5;
	s25 =	smax.u32 s6, $0x1  }
0x13: {  	s23 =	simm.s32 $0x2;
	s0 =	sadd.s32 $0x100, s0;
	[dreg:$0x7] =	wrdreg s25  }
0x14: {  	[dreg:$0x8] =	wrdreg s0;
	s0 =	sadd.s32 s4, s26;
	s25 =	simm.s32 $0x1AC00  }
0x15: {  	s26 =	simm.s32 $0x3;
	[dreg:$0x9] =	wrdreg s0;
	s0 =	simm.s32 $0x8  }
.LBB2_7:
0x16: {  	_ =	swait.ge [sflag:s31], $0x6400  }
0x17: {  	[sflag:s31] =	ssyncset.done $0x0  }
0x18: {  	[sflag:s31] =	ssyncadd.s32 $0xFFFF9C00  }
0x19: {  	_ =	swait.ge [sflag:s0], $0x6400  }
0x1a: {  	s3 =	sadd.s32 $0x1, s3;
	s4 =	rddreg [dreg:$0x7]  }
0x1b: {  	p0 =	sne.s32 s3, s4  }
.Ltmp1:
0x1c: {  	_ = 	snop;
	(pc) =	sbr.rel @!p0 .LBB2_8-.Ltmp1, $3  }
0x1d: {  	_ =	sdelay $0x1  }
0x1e: {  	[sflag:s0] =	ssyncset.done $0x0  }
0x1f: {  	[sflag:s0] =	ssyncadd.s32 $0xFFFF9C00  }
.LBB2_1:
0x20: {  	s4 =	rddreg [dreg:$0x4]  }
0x21: {  	[tilespmem:s10], [sflag:$0xA] =	stream.linear.gather [hbm4b:s4+s2], $0x2000, $0x38;
	[tilespmem:$0x1F000] =	vst v63  }
0x22: {  	_ =	swait.ge [sflag:s11], $0x2000  }
0x23: {  	[sflag:s11] =	ssyncset.done $0x0  }
0x24: {  	s9 =	rddreg [dreg:$0x5];
	[sflag:s11] =	ssyncadd.s32 $0xFFFFE000  }
0x25: {  	[spmem:s9] =	stream.linear.scatter [tilespmem:s10], [sflag:$0xA], $0x2000, $0x38;
	[tilespmem:$0x1F000] =	vst v63  }
0x26: {  	_ =	swait.ge [sflag:s11], $0x2000  }
0x27: {  	[sflag:s11] =	ssyncset.done $0x0  }
0x28: {  	[sflag:s11] =	ssyncadd.s32 $0xFFFFE000  }
0x29: {  	[bflag:$0x0] =	sbarrier.arrive $0xFFFF  }
0x2a: {  	s15 =	rddreg [dreg:$0x6]  }
0x2b: {  	[tilespmem:s2], [sflag:$0x9] =	stream.linear.gather [hbm4b:s15+s2], $0x2000, $0x38;
	[tilespmem:$0x1F000] =	vst v63  }
0x2c: {  	_ =	swait.ge [sflag:s12], $0x2000  }
0x2d: {  	[sflag:s12] =	ssyncset.done $0x0  }
0x2e: {  	[sflag:s12] =	ssyncadd.s32 $0xFFFFE000  }
0x2f: {  	[tilespmem:s10], [sflag:$0x1] =	stream.indirect.gather [spmem:s1], $0x80, s2, s13, $0xb8;
	[tilespmem:$0x1F000] =	vst v63  }
0x30: {  	s16 =	simm.s32 $0x400;
	s5 =	simm.s32 $0x8000  }
0x31: {  	[tilespmem:s5], [sflag:$0x1] =	stream.indirect.gather [spmem:s1], $0x80, s16, s14, $0xb8;
	[tilespmem:$0x1F000] =	vst v63  }
0x32: {  	s18 =	simm.s32 $0x480  }
0x33: {  	[tilespmem:s17], [sflag:$0x2] =	stream.indirect.gather [spmem:s1], $0x80, s13, s13, $0xb8;
	[tilespmem:$0x1F000] =	vst v63  }
0x34: {  	s6 =	simm.s32 $0x0;
	s15 =	simm.s32 $0x2000;
	s9 =	rddreg [dreg:$0x9]  }
0x35: {  	[tilespmem:s19], [sflag:$0x2] =	stream.indirect.gather [spmem:s1], $0x80, s18, s14, $0xb8;
	[tilespmem:$0x1F000] =	vst v63  }
0x36: {  	s8 =	rddreg [dreg:$0x8];
	s16 =	simm.s32 $0x280;
	s18 =	simm.s32 $0x0  }
.LBB2_2:
0x37: {  	s7 =	sand.u32 $0x7, s6;
	p0 =	seq.s32 s16, $0xFE80  }
0x38: {  	p1 =	sne.s32 @!p0 s7, $0x6  }
0x39: {  	p0 =	por p0, p1  }
.Ltmp2:
0x3a: {  	_ = 	snop;
	(pc) =	sbr.rel @p0 .LBB2_4-.Ltmp2, $1  }
0x3b: {  	_ =	sdelay $0x3  }
.Ltmp3:
0x3c: {  	(pc) =	sbr.rel .LBB2_5-.Ltmp3, $4  }
0x3d: {  	_ = 	snop  }
0x3e: {  	s7 =	sand.u32 $0x8000, s15  }
0x3f: {  	s7 =	sshrl.u32 s7, $0x2  }
0x40: {  	[tilespmem:s7], [sflag:$0x9] =	stream.linear.gather [hbm4b:s8+s2], $0x2000, $0x38;
	[tilespmem:$0x1F000] =	vst v63  }
.LBB2_4:
0x41: {  	p0 =	seq.s32 s16, $0x10080  }
0x42: {  	p1 =	sne.s32 @!p0 s7, $0x7  }
0x43: {  	p0 =	por p1, p0  }
0x44: {  	s7 =	simm.s32 @!p0 $0x9  }
0x45: {  	_ =	swait.ge @!p0 [sflag:s7], $0x2000  }
0x46: {  	[sflag:s7] =	ssyncset.done @!p0 $0x0  }
0x47: {  	[sflag:s7] =	ssyncadd.s32 @!p0 $0xFFFFE000  }
.LBB2_5:
0x48: {  	_ =	swait.ge [sflag:s20], $0x6400  }
0x49: {  	p0 =	seq.s32 s16, $0x280;
	[sflag:s20] =	ssyncset.done $0x0  }
0x4a: {  	s7 =	simm.s32 @!p0 $0x7;
	[sflag:s20] =	ssyncadd.s32 $0xFFFF9C00  }
0x4b: {  	[hbm4b:s9+s2] =	stream.linear.scatter [tilespmem:s10], [sflag:$0x5], $0x6400, $0x38;
	[tilespmem:$0x1F000] =	vst v63  }
0x4c: {  	s5 =	sadd.s32 $0xFFFFFE80, s16;
	_ =	swait.ge @!p0 [sflag:s7], $0x6400  }
0x4d: {  	s4 =	sand.u32 $0x3800, s18;
	s5 =	sand.u32 $0x300, s5;
	[sflag:s7] =	ssyncset.done @!p0 $0x0  }
0x4e: {  	s5 =	sor.u32 s5, s4;
	[sflag:s7] =	ssyncadd.s32 @!p0 $0xFFFF9C00  }
0x4f: {  	[tilespmem:s21], [sflag:$0x3] =	stream.indirect.gather [spmem:s1], $0x80, s5, s13, $0xb8;
	[tilespmem:$0x1F000] =	vst v63  }
0x50: {  	s5 =	sor.u32 $0x400, s5  }
0x51: {  	[tilespmem:s22], [sflag:$0x3] =	stream.indirect.gather [spmem:s1], $0x80, s5, s14, $0xb8;
	[tilespmem:$0x1F000] =	vst v63  }
0x52: {  	_ =	swait.ge [sflag:s23], $0x6400  }
0x53: {  	[sflag:s23] =	ssyncset.done $0x0  }
0x54: {  	s7 =	sadd.s32 $0xC80, s9;
	s5 =	simm.s32 @!p0 $0x8;
	[sflag:s23] =	ssyncadd.s32 $0xFFFF9C00  }
0x55: {  	[hbm4b:s7+s2] =	stream.linear.scatter [tilespmem:s17], [sflag:$0x6], $0x6400, $0x38;
	[tilespmem:$0x1F000] =	vst v63  }
0x56: {  	s7 =	sadd.s32 $0xFFFFFF00, s16;
	_ =	swait.ge @!p0 [sflag:s5], $0x6400  }
0x57: {  	s7 =	sand.u32 $0x380, s7;
	[sflag:s5] =	ssyncset.done @!p0 $0x0  }
0x58: {  	s4 =	sadd.s32 s7, s4;
	[sflag:s5] =	ssyncadd.s32 @!p0 $0xFFFF9C00  }
0x59: {  	[tilespmem:s24], [sflag:$0x4] =	stream.indirect.gather [spmem:s1], $0x80, s4, s13, $0xb8;
	[tilespmem:$0x1F000] =	vst v63  }
0x5a: {  	s4 =	sadd.s32 $0x400, s4  }
0x5b: {  	[tilespmem:s25], [sflag:$0x4] =	stream.indirect.gather [spmem:s1], $0x80, s4, s14, $0xb8;
	[tilespmem:$0x1F000] =	vst v63  }
0x5c: {  	_ =	swait.ge [sflag:s26], $0x6400  }
0x5d: {  	p0 =	seq.s32 s16, $0x10080;
	[sflag:s26] =	ssyncset.done $0x0  }
0x5e: {  	s5 =	sadd.s32 $0x1900, s9;
	s7 =	simm.s32 @!p0 $0x4000;
	[sflag:s26] =	ssyncadd.s32 $0xFFFF9C00  }
0x5f: {  	[hbm4b:s5+s2] =	stream.linear.scatter [tilespmem:s21], [sflag:$0x7], $0x6400, $0x38;
	[tilespmem:$0x1F000] =	vst v63  }
0x60: {  	s4 =	sadd.s32 @!p0 $0x400, s18;
	s5 =	sadd.s32 @!p0 $0xFFFFFF80, s16;
	_ =	swait.ge [sflag:s28], $0x6400  }
0x61: {  	s4 =	sand.u32 @!p0 $0x3800, s4;
	s5 =	sand.u32 @!p0 $0x200, s5;
	[sflag:s28] =	ssyncset.done $0x0  }
0x62: {  	s4 =	sor.u32 @!p0 s5, s4;
	s5 =	simm.s32 @!p0 $0x80;
	[sflag:s28] =	ssyncadd.s32 $0xFFFF9C00  }
0x63: {  	[tilespmem:s7], [sflag:$0x1] =	stream.indirect.gather @!p0 [spmem:s1], $0x80, s4, s5, $0xb8;
	[tilespmem:$0x1F000] =	vst v63  }
0x64: {  	s4 =	sor.u32 @!p0 $0x400, s4;
	s5 =	simm.s32 @!p0 $0x48;
	s7 =	simm.s32 @!p0 $0x8000  }
0x65: {  	[tilespmem:s7], [sflag:$0x1] =	stream.indirect.gather @!p0 [spmem:s1], $0x80, s4, s5, $0xb8;
	[tilespmem:$0x1F000] =	vst v63  }
0x66: {  	_ =	swait.ge [sflag:s29], $0x6400  }
0x67: {  	[sflag:s29] =	ssyncset.done $0x0  }
.Ltmp4:
0x68: {  	s7 =	sadd.s32 $0x2580, s9;
	[sflag:s29] =	ssyncadd.s32 $0xFFFF9C00;
	(pc) =	sbr.rel @p0 .LBB2_7-.Ltmp4, $4  }
0x69: {  	[hbm4b:s7+s2] =	stream.linear.scatter [tilespmem:s24], [sflag:$0x8], $0x6400, $0x38;
	[tilespmem:$0x1F000] =	vst v63  }
0x6a: {  	_ =	swait.ge [sflag:s30], $0x6400  }
0x6b: {  	[sflag:s30] =	ssyncset.done $0x0  }
0x6c: {  	[sflag:s30] =	ssyncadd.s32 $0xFFFF9C00  }
0x6d: {  	s4 =	sadd.s32 $0x500, s18;
	s5 =	sand.u32 $0x280, s16;
	s6 =	sadd.s32 $0x1, s6  }
.Ltmp5:
0x6e: {  	s8 =	sadd.s32 $0x80, s8;
	s4 =	sand.u32 $0x3800, s4;
	(pc) =	sbr.rel .LBB2_2-.Ltmp5, $4  }
0x6f: {  	s15 =	sadd.s32 $0x1000, s15;
	s9 =	sadd.s32 $0x3200, s9;
	s4 =	sor.u32 s5, s4  }
0x70: {  	[tilespmem:s17], [sflag:$0x2] =	stream.indirect.gather [spmem:s1], $0x80, s4, s13, $0xb8;
	[tilespmem:$0x1F000] =	vst v63  }
0x71: {  	s16 =	sadd.s32 $0x200, s16;
	s18 =	sadd.s32 $0x400, s18;
	s4 =	sor.u32 $0x400, s4  }
0x72: {  	[tilespmem:s19], [sflag:$0x2] =	stream.indirect.gather [spmem:s1], $0x80, s4, s14, $0xb8;
	[tilespmem:$0x1F000] =	vst v63  }
.LBB2_8:
0x73: {  	_ =	sfence.sel $0x180000  }
0x74: {  	[bflag:$0x0] =	sbarrier.arrive $0xFFFF  }
0x75: {  	_ =	strace $0x90000047  }
0x76: {  	s0 =	stileid.u32;
	[bflag:$0x2] =	sbarrier.arrive $0xFFFF  }
0x77: {  	p0 =	sne.s32 s0, $0x0;
	s0 =	rddreg [dreg:$0x3]  }
0x78: {  	s0 =	sadd.s32 @!p0 $0x100000, s0  }
0x79: {  	[sflag:s0] =	ssyncadd.tile.s32 @!p0 $0x1;
	_ =	shalt  }
.Lfunc_end2:
_tile_overlayer_lowered:
.L_overlay_start_2:
0x7a: {  	(tag) =	ssettag $0x2  }
0x7b: {  	s0 =	rddreg [dreg:$0x0];
	s2 =	stileid.u32  }
0x7c: {  	s1 =	rddreg [dreg:$0x1];
	p0 =	sne.s32 s2, $0x0  }
0x7d: {  	s3 =	rddreg [dreg:$0x2];
	[bflag:$0x3] =	sbarrier.arrive $0xFFFF;
	s2 =	simm.s32 @!p0 $0x1C0A  }
0x7e: {  	[timem:s3], [sflag:s2] =	dma.local @!p0 [hbm:s0], s1  }
0x7f: {  	s0 =	simm.s32 @!p0 $0xA  }
0x80: {  	_ =	swait.ge @!p0 [sflag:s0], s1  }
0x81: {  	s1 =	ssub.s32 @!p0 $0x0, s1;
	[sflag:s0] =	ssyncset.done @!p0 $0x0  }
0x82: {  	[sflag:s0] =	ssyncadd.s32 @!p0 s1  }
0x83: {  	[bflag:$0x3] =	sbarrier.arrive $0xFFFF  }
0x84: {  	_ =	shalt  }

</sc_bundles>
